<compile_context>
chip_gen: v7x
topology: tpu7x:2x2x1
jax: 0.10.2.dev20260603
libtpu: 0.0.44.dev20260713+nightly
codegen_flags: <defaults>
</compile_context>

<pallas_src>
import functools

import jax
import jax.numpy as jnp
from jax.experimental import pallas as pl
from jax.experimental.pallas import tpu as pltpu

_NPOINT = 1024
_RADIUS = 0.2
_NSAMPLE = 32
_ALPHA = 0.2
_EPS = 1e-5
_N = 4096
_SUB = 8
_LANE = _N // _SUB


def _fps_kernel(xyz_ref, out_ref):
    nb = out_ref.shape[0]
    x = xyz_ref[0]
    y = xyz_ref[1]
    z = xyz_ref[2]
    rows = jax.lax.broadcasted_iota(jnp.int32, (nb, _SUB, _LANE), 1)
    cols = jax.lax.broadcasted_iota(jnp.int32, (nb, _SUB, _LANE), 2)
    lin = rows * _LANE + cols
    s_iota = jax.lax.broadcasted_iota(jnp.int32, (nb, _SUB, _NPOINT), 2)

    def red(v, op):
        return op(op(v, axis=2, keepdims=True), axis=1, keepdims=True)

    def body(t, carry):
        dist, far, out = carry
        fm = lin == far
        cx = red(jnp.where(fm, x, 0.0), jnp.sum)
        cy = red(jnp.where(fm, y, 0.0), jnp.sum)
        cz = red(jnp.where(fm, z, 0.0), jnp.sum)
        dx = x - cx
        dy = y - cy
        dz = z - cz
        d = (dx * dx + dy * dy) + dz * dz
        dist = jnp.minimum(dist, d)
        out = jnp.where(s_iota == t, far, out)
        m = red(dist, jnp.max)
        far_new = red(jnp.where(dist == m, lin, jnp.int32(_N)), jnp.min)
        return dist, far_new, out

    dist0 = jnp.full((nb, _SUB, _LANE), 1e10, dtype=jnp.float32)
    far0 = jnp.zeros((nb, 1, 1), dtype=jnp.int32)
    out0 = jnp.zeros((nb, _SUB, _NPOINT), dtype=jnp.int32)
    _, _, out = jax.lax.fori_loop(0, _NPOINT, body, (dist0, far0, out0))
    out_ref[...] = out


_NCHUNK = 32
_CLANE = _N // _NCHUNK


def _ball_kernel(xyz_ref, cxyz_ref, out_ref):
    s_blk = cxyz_ref.shape[0]
    x = jnp.reshape(xyz_ref[0], (1, _NCHUNK, _CLANE))
    y = jnp.reshape(xyz_ref[1], (1, _NCHUNK, _CLANE))
    z = jnp.reshape(xyz_ref[2], (1, _NCHUNK, _CLANE))
    cx = jnp.reshape(cxyz_ref[:, 0:1], (s_blk, 1, 1))
    cy = jnp.reshape(cxyz_ref[:, 1:2], (s_blk, 1, 1))
    cz = jnp.reshape(cxyz_ref[:, 2:3], (s_blk, 1, 1))
    bf = jnp.bfloat16
    xb = x.astype(bf).astype(jnp.float32)
    yb = y.astype(bf).astype(jnp.float32)
    zb = z.astype(bf).astype(jnp.float32)
    cxb = cx.astype(bf).astype(jnp.float32)
    cyb = cy.astype(bf).astype(jnp.float32)
    czb = cz.astype(bf).astype(jnp.float32)
    pd = -2.0 * ((cxb * xb + cyb * yb) + czb * zb)
    c2 = (cx * cx + cy * cy) + cz * cz
    x2 = (x * x + y * y) + z * z
    d = (pd + c2) + x2
    mask = jnp.logical_not(d > jnp.float32(_RADIUS * _RADIUS))
    mi = mask.astype(jnp.float32)

    li = jax.lax.broadcasted_iota(jnp.int32, (_CLANE, _CLANE), 0)
    lj = jax.lax.broadcasted_iota(jnp.int32, (_CLANE, _CLANE), 1)
    tri_inc = (li <= lj).astype(jnp.float32)
    mi2 = jnp.reshape(mi, (s_blk * _NCHUNK, _CLANE))
    within = jnp.dot(mi2, tri_inc, preferred_element_type=jnp.float32)
    within = jnp.reshape(within, (s_blk, _NCHUNK, _CLANE))

    sums = jnp.sum(mi, axis=2)
    ci = jax.lax.broadcasted_iota(jnp.int32, (_NCHUNK, _NCHUNK), 0)
    cj = jax.lax.broadcasted_iota(jnp.int32, (_NCHUNK, _NCHUNK), 1)
    tri_exc = (ci < cj).astype(jnp.float32)
    base = jnp.dot(sums, tri_exc, preferred_element_type=jnp.float32)
    base = jnp.reshape(base, (s_blk, _NCHUNK, 1))

    rank = base + within - mi
    lin = (jax.lax.broadcasted_iota(jnp.int32, (s_blk, _NCHUNK, _CLANE), 1) * _CLANE
           + jax.lax.broadcasted_iota(jnp.int32, (s_blk, _NCHUNK, _CLANE), 2))
    big = jnp.int32(_N)
    fv = jnp.min(jnp.min(jnp.where(mask, lin, big), axis=2), axis=1, keepdims=True)
    cnt = jnp.reshape(jnp.sum(sums, axis=1), (s_blk, 1))
    cols = []
    for k in range(_NSAMPLE):
        sel = mask & (rank == jnp.float32(k))
        idx_k = jnp.sum(jnp.sum(jnp.where(sel, lin, 0), axis=2), axis=1,
                        keepdims=True)
        cols.append(jnp.where(cnt > k, idx_k, fv))
    out_ref[...] = jnp.concatenate(cols, axis=1)


def _mlpgat_kernel(g_ref, f_ref, w1_ref, b1_ref, w2_ref, b2_ref, w3_ref,
                   b3_ref, a_ref, out_ref):
    k_n, s_blk, c_in = g_ref.shape
    g = jnp.reshape(g_ref[...], (k_n * s_blk, c_in))
    w1 = w1_ref[...]
    b1 = b1_ref[...]
    w2 = w2_ref[...]
    b2 = b2_ref[...]
    w3 = w3_ref[...]
    b3 = b3_ref[...]

    bf = jnp.bfloat16

    def bdot(u, v):
        return jnp.dot(u.astype(bf), v.astype(bf),
                       preferred_element_type=jnp.float32)

    def mlp(v):
        h = jnp.maximum(bdot(v, w1) + b1, 0.0)
        h = jnp.maximum(bdot(h, w2) + b2, 0.0)
        h = jnp.maximum(bdot(h, w3) + b3, 0.0)
        return h

    h = mlp(g)
    f = mlp(f_ref[...])

    a1 = a_ref[0:3, :]
    a2 = a_ref[3:, :]
    ea = bdot(h, a2)
    fa = bdot(f, a2)
    ep = -(g[:, 0:1] * a1[0:1, :] + g[:, 1:2] * a1[1:2, :] + g[:, 2:3] * a1[2:3, :])

    alpha = jnp.float32(_ALPHA)
    e_list = []
    m = jnp.full((s_blk, 128), -jnp.inf, dtype=jnp.float32)
    for k in range(k_n):
        sl = slice(k * s_blk, (k + 1) * s_blk)
        e_k = ep[sl, :] + fa - ea[sl, :]
        e_k = jnp.where(e_k >= 0.0, e_k, alpha * e_k)
        e_list.append(e_k)
        m = jnp.maximum(m, e_k)
    zsum = jnp.zeros((s_blk, 128), dtype=jnp.float32)
    acc = jnp.zeros((s_blk, 128), dtype=jnp.float32)
    for k in range(k_n):
        sl = slice(k * s_blk, (k + 1) * s_blk)
        p_k = jnp.exp(e_list[k] - m)
        zsum = zsum + p_k
        acc = acc + p_k * h[sl, :]
    out_ref[...] = acc / zsum


def _run_fps(xyz):
    b = xyz.shape[0]
    xyz_r = xyz.reshape(b, 3, _SUB, _LANE).transpose(1, 0, 2, 3)
    out = pl.pallas_call(
        _fps_kernel,
        out_shape=jax.ShapeDtypeStruct((b, _SUB, _NPOINT), jnp.int32),
    )(xyz_r)
    return out[:, 0, :]


def _run_ball(xyz, new_xyz, s_blk=128):
    b = xyz.shape[0]
    n_sb = _NPOINT // s_blk
    xyz_c = xyz.reshape(b, 3, _NCHUNK, _CLANE)
    return pl.pallas_call(
        _ball_kernel,
        grid=(b, n_sb),
        in_specs=[
            pl.BlockSpec((None, 3, _NCHUNK, _CLANE), lambda i, j: (i, 0, 0, 0)),
            pl.BlockSpec((None, s_blk, 3), lambda i, j: (i, j, 0)),
        ],
        out_specs=pl.BlockSpec((None, s_blk, _NSAMPLE), lambda i, j: (i, j, 0)),
        out_shape=jax.ShapeDtypeStruct((b, _NPOINT, _NSAMPLE), jnp.int32),
        compiler_params=pltpu.CompilerParams(
            dimension_semantics=("parallel", "parallel")),
    )(xyz_c, new_xyz)


def _run_mlpgat(g, f, w1, b1, w2, b2, w3, b3, a, s_blk=128):
    b, k_n, s, c_in = g.shape
    n_sb = s // s_blk
    c_out = w3.shape[1]
    const = lambda i, j: (0, 0)
    return pl.pallas_call(
        _mlpgat_kernel,
        grid=(b, n_sb),
        in_specs=[
            pl.BlockSpec((None, k_n, s_blk, c_in), lambda i, j: (i, 0, j, 0)),
            pl.BlockSpec((None, s_blk, c_in), lambda i, j: (i, j, 0)),
            pl.BlockSpec(w1.shape, const),
            pl.BlockSpec(b1.shape, const),
            pl.BlockSpec(w2.shape, const),
            pl.BlockSpec(b2.shape, const),
            pl.BlockSpec(w3.shape, const),
            pl.BlockSpec(b3.shape, const),
            pl.BlockSpec(a.shape, const),
        ],
        out_specs=pl.BlockSpec((None, s_blk, c_out), lambda i, j: (i, j, 0)),
        out_shape=jax.ShapeDtypeStruct((b, s, c_out), jnp.float32),
        compiler_params=pltpu.CompilerParams(
            dimension_semantics=("parallel", "parallel")),
    )(g, f, w1, b1, w2, b2, w3, b3, a)


@jax.jit
def kernel(xyz, points, params):
    b = xyz.shape[0]
    xyz_t = xyz.transpose(0, 2, 1)
    pts_t = points.transpose(0, 2, 1)

    fps_idx = _run_fps(xyz)
    new_xyz = jnp.take_along_axis(xyz_t, fps_idx[:, :, None], axis=1)
    idx = _run_ball(xyz, new_xyz)

    idx_t = idx.transpose(0, 2, 1).reshape(b, _NSAMPLE * _NPOINT)
    grouped_xyz = jnp.take_along_axis(xyz_t, idx_t[:, :, None], axis=1)
    grouped_xyz = grouped_xyz.reshape(b, _NSAMPLE, _NPOINT, 3)
    g_norm = grouped_xyz - new_xyz[:, None, :, :]
    grouped_pts = jnp.take_along_axis(pts_t, idx_t[:, :, None], axis=1)
    grouped_pts = grouped_pts.reshape(b, _NSAMPLE, _NPOINT, pts_t.shape[-1])
    g = jnp.concatenate([g_norm, grouped_pts], axis=-1)

    fps_pts = jnp.take_along_axis(pts_t, fps_idx[:, :, None], axis=1)
    f = jnp.concatenate([new_xyz, fps_pts], axis=-1)

    inv = 1.0 / jnp.sqrt(1.0 + _EPS)
    ws, bs = [], []
    for layer in params['convs']:
        scale = inv * layer['gamma']
        ws.append(layer['w'].T * scale[None, :])
        bs.append((layer['b'] * scale + layer['beta'])[None, :])
    a = params['a']

    pooled = _run_mlpgat(g, f, ws[0], bs[0], ws[1], bs[1], ws[2], bs[2], a)
    return new_xyz.transpose(0, 2, 1), pooled.transpose(0, 2, 1)

# --- scband reference (transcript-rebuilt; emitter-appended) ---
"""Pipeline reference for scband-graph-attention-conv-layer-12077448037163 (READ-ONLY COPY).

The authoritative reference and input builder live on the scoring server;
editing this copy changes nothing except your own understanding.
"""

import jax, jax.numpy as jnp
import numpy as np

NPOINT = 1024
RADIUS = 0.2
NSAMPLE = 32
MLP = [64, 64, 128]
IN_CH = 64
ALPHA = 0.2
EPS = 1e-5
B, N, D = 4, 4096, 61


def setup_inputs(seed: int = 0):
    key = jax.random.key(seed)
    ks = jax.random.split(key, 8)
    xyz = jax.random.uniform(ks[0], (B, 3, N), dtype=jnp.float32)
    points = jax.random.normal(ks[1], (B, D, N), dtype=jnp.float32)
    convs = []
    last = IN_CH
    for i, oc in enumerate(MLP):
        w = jax.random.normal(ks[2 + i], (oc, last), dtype=jnp.float32) / np.sqrt(last)
        convs.append({
            'w': w,
            'b': jnp.zeros((oc,), dtype=jnp.float32),
            'gamma': jnp.ones((oc,), dtype=jnp.float32),
            'beta': jnp.zeros((oc,), dtype=jnp.float32),
        })
        last = oc
    lim = np.sqrt(6.0 / (3 + last + last)) * 1.414
    a = jax.random.uniform(ks[6], (3 + last, last), minval=-lim, maxval=lim, dtype=jnp.float32)
    params = {'convs': convs, 'a': a}
    return {'xyz': xyz, 'points': points, 'params': params}


def index_points(points, idx):
    # points [B, N, C], idx [B, ...] -> [B, ..., C]
    return jax.vmap(lambda p, i: p[i])(points, idx)


def square_distance(src, dst):
    dist = -2.0 * jnp.matmul(src, dst.transpose(0, 2, 1))
    dist = dist + jnp.sum(src ** 2, -1)[:, :, None]
    dist = dist + jnp.sum(dst ** 2, -1)[:, None, :]
    return dist


def farthest_point_sample(xyz, npoint):
    b, n, _ = xyz.shape

    def step(carry, _):
        distance, farthest = carry
        centroid = jnp.take_along_axis(xyz, farthest[:, None, None], axis=1)
        dist = jnp.sum((xyz - centroid) ** 2, -1)
        distance = jnp.minimum(distance, dist)
        return (distance, jnp.argmax(distance, axis=-1).astype(jnp.int32)), farthest

    init = (jnp.full((b, n), 1e10, dtype=xyz.dtype), jnp.zeros((b,), dtype=jnp.int32))
    _, cents = jax.lax.scan(step, init, None, length=npoint)
    return jnp.transpose(cents)  # [B, npoint]


def query_ball_point(radius, nsample, xyz, new_xyz):
    b, n, _ = xyz.shape
    s = new_xyz.shape[1]
    group_idx = jnp.broadcast_to(jnp.arange(n, dtype=jnp.int32), (b, s, n))
    sqrdists = square_distance(new_xyz, xyz)
    group_idx = jnp.where(sqrdists > radius ** 2, n, group_idx)
    group_idx = jnp.sort(group_idx, axis=-1)[:, :, :nsample]
    group_first = jnp.broadcast_to(group_idx[:, :, :1], group_idx.shape)
    group_idx = jnp.where(group_idx == n, group_first, group_idx)
    return group_idx


def gat(a, alpha, center_xyz, center_feature, grouped_xyz, grouped_feature):
    delta_p = center_xyz[:, :, None, :] - grouped_xyz
    delta_h = center_feature[:, :, None, :] - grouped_feature
    dpch = jnp.concatenate([delta_p, delta_h], axis=-1)
    e = jax.nn.leaky_relu(jnp.matmul(dpch, a), negative_slope=alpha)
    attention = jax.nn.softmax(e, axis=2)
    return jnp.sum(attention * grouped_feature, axis=2)


def _forward(xyz, points, params):
    xyz_t = xyz.transpose(0, 2, 1)   # [B, N, 3]
    pts_t = points.transpose(0, 2, 1)  # [B, N, D]
    fps_idx = farthest_point_sample(xyz_t, NPOINT)
    new_xyz = index_points(xyz_t, fps_idx)                     # [B, S, 3]
    idx = query_ball_point(RADIUS, NSAMPLE, xyz_t, new_xyz)    # [B, S, K]
    grouped_xyz = index_points(xyz_t, idx)                     # [B, S, K, 3]
    grouped_xyz_norm = grouped_xyz - new_xyz[:, :, None, :]
    grouped_points = index_points(pts_t, idx)                  # [B, S, K, D]
    fps_points = jnp.concatenate([new_xyz, index_points(pts_t, fps_idx)], axis=-1)  # [B, S, 3+D]
    new_points = jnp.concatenate([grouped_xyz_norm, grouped_points], axis=-1)       # [B, S, K, 3+D]
    inv = 1.0 / jnp.sqrt(1.0 + EPS)  # BatchNorm eval mode: running_mean=0, running_var=1
    for layer in params['convs']:
        w, bb, g, bt = layer['w'], layer['b'], layer['gamma'], layer['beta']
        new_points = jax.nn.relu((jnp.matmul(new_points, w.T) + bb) * inv * g + bt)
        fps_points = jax.nn.relu((jnp.matmul(fps_points, w.T) + bb) * inv * g + bt)
    pooled = gat(params['a'], ALPHA, new_xyz, fps_points, grouped_xyz, new_points)  # [B, S, mlp[-1]]
    return new_xyz.transpose(0, 2, 1), pooled.transpose(0, 2, 1)


def reference(xyz, points, params):
    return _forward(xyz, points, params)

if __name__ == "__main__":
    import jax
    _d = setup_inputs()
    print(jax.jit(kernel)(*tuple(_d.values())))

</pallas_src>

<mosaic_0001>
module attributes {stable_mosaic.version = 14 : i64} {
  func.func @_fps_kernel(%arg0: memref<3x4x8x512xf32, #tpu.memory_space<vmem>>, %arg1: memref<4x8x1024xi32, #tpu.memory_space<vmem>>) attributes {dimension_semantics = [], scalar_prefetch = 0 : i64, scratch_operands = 0 : i64, tpu.core_type = #tpu.core_type<tc>} {
    %get3A = arith.constant 0 : index
    %get3A_0 = arith.constant 0 : index
    %get3A_1 = arith.constant 0 : index
    %get3A_2 = arith.constant 0 : index
    %get3A_3 = vector.load %arg0[%get3A, %get3A_0, %get3A_1, %get3A_2] : memref<3x4x8x512xf32, #tpu.memory_space<vmem>>, vector<1x4x8x512xf32>
    %get3A_4 = vector.shape_cast %get3A_3 : vector<1x4x8x512xf32> to vector<4x8x512xf32>
    %get3A_5 = arith.constant 1 : index
    %get3A_6 = arith.constant 0 : index
    %get3A_7 = arith.constant 0 : index
    %get3A_8 = arith.constant 0 : index
    %get3A_9 = vector.load %arg0[%get3A_5, %get3A_6, %get3A_7, %get3A_8] : memref<3x4x8x512xf32, #tpu.memory_space<vmem>>, vector<1x4x8x512xf32>
    %get3A_10 = vector.shape_cast %get3A_9 : vector<1x4x8x512xf32> to vector<4x8x512xf32>
    %get3A_11 = arith.constant 2 : index
    %get3A_12 = arith.constant 0 : index
    %get3A_13 = arith.constant 0 : index
    %get3A_14 = arith.constant 0 : index
    %get3A_15 = vector.load %arg0[%get3A_11, %get3A_12, %get3A_13, %get3A_14] : memref<3x4x8x512xf32, #tpu.memory_space<vmem>>, vector<1x4x8x512xf32>
    %get3A_16 = vector.shape_cast %get3A_15 : vector<1x4x8x512xf32> to vector<4x8x512xf32>
    %iota3A = tpu.iota {dimensions = array<i32: 1>} : vector<4x8x512xi32>
    %iota3A_17 = tpu.iota {dimensions = array<i32: 2>} : vector<4x8x512xi32>
    %mul3A = arith.constant 512 : i32
    %mul3A_18 = vector.broadcast %mul3A : i32 to vector<4x8x512xi32>
    %mul3A_19 = arith.muli %iota3A, %mul3A_18 : vector<4x8x512xi32>
    %add3A = arith.addi %mul3A_19, %iota3A_17 : vector<4x8x512xi32>
    %iota3A_20 = tpu.iota {dimensions = array<i32: 2>} : vector<4x8x1024xi32>
    %broadcast_in_dim3A = arith.constant 1.000000e+10 : f32
    %broadcast_in_dim3A_21 = vector.broadcast %broadcast_in_dim3A : f32 to vector<4x8x512xf32>
    %broadcast_in_dim3A_22 = arith.constant 0 : i32
    %broadcast_in_dim3A_23 = vector.broadcast %broadcast_in_dim3A_22 : i32 to vector<4x1x1xi32>
    %broadcast_in_dim3A_24 = arith.constant 0 : i32
    %broadcast_in_dim3A_25 = vector.broadcast %broadcast_in_dim3A_24 : i32 to vector<4x8x1024xi32>
    %scan3A = arith.constant 0 : i32
    %scan3A_26 = arith.constant 1024 : i32
    %scan3A_27 = arith.addi %scan3A, %scan3A_26 : i32
    %scan3A_28 = arith.constant 1 : i32
    %scan3A_29:3 = scf.for %scan3A_34 = %scan3A to %scan3A_27 step %scan3A_28 iter_args(%scan3A_35 = %broadcast_in_dim3A_21, %scan3A_36 = %broadcast_in_dim3A_23, %scan3A_37 = %broadcast_in_dim3A_25) -> (vector<4x8x512xf32>, vector<4x1x1xi32>, vector<4x8x1024xi32>)  : i32 {
      %eq3A = vector.broadcast %scan3A_36 : vector<4x1x1xi32> to vector<4x8x512xi32>
      %eq3A_38 = arith.cmpi eq, %add3A, %eq3A : vector<4x8x512xi32>
      %jit3A = arith.constant 0.000000e+00 : f32
      %broadcast_in_dim3A_39 = vector.broadcast %jit3A : f32 to vector<4x8x512xf32>
      %select_n3A = arith.select %eq3A_38, %get3A_4, %broadcast_in_dim3A_39 : vector<4x8x512xi1>, vector<4x8x512xf32>
      %reduce_sum3A = arith.constant dense<0.000000e+00> : vector<4x8xf32>
      %reduce_sum3A_40 = vector.multi_reduction <add>, %select_n3A, %reduce_sum3A [2] : vector<4x8x512xf32> to vector<4x8xf32>
      %broadcast_in_dim3A_41 = vector.shape_cast %reduce_sum3A_40 : vector<4x8xf32> to vector<4x8x1xf32>
      %reduce_sum3A_42 = arith.constant dense<0.000000e+00> : vector<4x1xf32>
      %reduce_sum3A_43 = vector.multi_reduction <add>, %broadcast_in_dim3A_41, %reduce_sum3A_42 [1] : vector<4x8x1xf32> to vector<4x1xf32>
      %broadcast_in_dim3A_44 = vector.shape_cast %reduce_sum3A_43 : vector<4x1xf32> to vector<4x1x1xf32>
      %jit3A_45 = arith.constant 0.000000e+00 : f32
      %broadcast_in_dim3A_46 = vector.broadcast %jit3A_45 : f32 to vector<4x8x512xf32>
      %select_n3A_47 = arith.select %eq3A_38, %get3A_10, %broadcast_in_dim3A_46 : vector<4x8x512xi1>, vector<4x8x512xf32>
      %reduce_sum3A_48 = arith.constant dense<0.000000e+00> : vector<4x8xf32>
      %reduce_sum3A_49 = vector.multi_reduction <add>, %select_n3A_47, %reduce_sum3A_48 [2] : vector<4x8x512xf32> to vector<4x8xf32>
      %broadcast_in_dim3A_50 = vector.shape_cast %reduce_sum3A_49 : vector<4x8xf32> to vector<4x8x1xf32>
      %reduce_sum3A_51 = arith.constant dense<0.000000e+00> : vector<4x1xf32>
      %reduce_sum3A_52 = vector.multi_reduction <add>, %broadcast_in_dim3A_50, %reduce_sum3A_51 [1] : vector<4x8x1xf32> to vector<4x1xf32>
      %broadcast_in_dim3A_53 = vector.shape_cast %reduce_sum3A_52 : vector<4x1xf32> to vector<4x1x1xf32>
      %jit3A_54 = arith.constant 0.000000e+00 : f32
      %broadcast_in_dim3A_55 = vector.broadcast %jit3A_54 : f32 to vector<4x8x512xf32>
      %select_n3A_56 = arith.select %eq3A_38, %get3A_16, %broadcast_in_dim3A_55 : vector<4x8x512xi1>, vector<4x8x512xf32>
      %reduce_sum3A_57 = arith.constant dense<0.000000e+00> : vector<4x8xf32>
      %reduce_sum3A_58 = vector.multi_reduction <add>, %select_n3A_56, %reduce_sum3A_57 [2] : vector<4x8x512xf32> to vector<4x8xf32>
      %broadcast_in_dim3A_59 = vector.shape_cast %reduce_sum3A_58 : vector<4x8xf32> to vector<4x8x1xf32>
      %reduce_sum3A_60 = arith.constant dense<0.000000e+00> : vector<4x1xf32>
      %reduce_sum3A_61 = vector.multi_reduction <add>, %broadcast_in_dim3A_59, %reduce_sum3A_60 [1] : vector<4x8x1xf32> to vector<4x1xf32>
      %broadcast_in_dim3A_62 = vector.shape_cast %reduce_sum3A_61 : vector<4x1xf32> to vector<4x1x1xf32>
      %sub3A = vector.broadcast %broadcast_in_dim3A_44 : vector<4x1x1xf32> to vector<4x8x512xf32>
      %sub3A_63 = arith.subf %get3A_4, %sub3A : vector<4x8x512xf32>
      %sub3A_64 = vector.broadcast %broadcast_in_dim3A_53 : vector<4x1x1xf32> to vector<4x8x512xf32>
      %sub3A_65 = arith.subf %get3A_10, %sub3A_64 : vector<4x8x512xf32>
      %sub3A_66 = vector.broadcast %broadcast_in_dim3A_62 : vector<4x1x1xf32> to vector<4x8x512xf32>
      %sub3A_67 = arith.subf %get3A_16, %sub3A_66 : vector<4x8x512xf32>
      %mul3A_68 = arith.mulf %sub3A_63, %sub3A_63 : vector<4x8x512xf32>
      %mul3A_69 = arith.mulf %sub3A_65, %sub3A_65 : vector<4x8x512xf32>
      %add3A_70 = arith.addf %mul3A_68, %mul3A_69 : vector<4x8x512xf32>
      %mul3A_71 = arith.mulf %sub3A_67, %sub3A_67 : vector<4x8x512xf32>
      %add3A_72 = arith.addf %add3A_70, %mul3A_71 : vector<4x8x512xf32>
      %min3A = arith.minimumf %scan3A_35, %add3A_72 : vector<4x8x512xf32>
      %eq3A_73 = vector.broadcast %scan3A_34 : i32 to vector<4x8x1024xi32>
      %eq3A_74 = arith.cmpi eq, %iota3A_20, %eq3A_73 : vector<4x8x1024xi32>
      %broadcast_in_dim3A_75 = vector.shape_cast %scan3A_36 : vector<4x1x1xi32> to vector<4x1x1xi32>
      %broadcast_in_dim3A_76 = vector.broadcast %broadcast_in_dim3A_75 : vector<4x1x1xi32> to vector<4x8x1024xi32>
      %select_n3A_77 = arith.select %eq3A_74, %broadcast_in_dim3A_76, %scan3A_37 : vector<4x8x1024xi1>, vector<4x8x1024xi32>
      %reduce_max3A = arith.constant dense<0xFF800000> : vector<4x8xf32>
      %reduce_max3A_78 = vector.multi_reduction <maximumf>, %min3A, %reduce_max3A [2] : vector<4x8x512xf32> to vector<4x8xf32>
      %broadcast_in_dim3A_79 = vector.shape_cast %reduce_max3A_78 : vector<4x8xf32> to vector<4x8x1xf32>
      %reduce_max3A_80 = arith.constant dense<0xFF800000> : vector<4x1xf32>
      %reduce_max3A_81 = vector.multi_reduction <maximumf>, %broadcast_in_dim3A_79, %reduce_max3A_80 [1] : vector<4x8x1xf32> to vector<4x1xf32>
      %broadcast_in_dim3A_82 = vector.shape_cast %reduce_max3A_81 : vector<4x1xf32> to vector<4x1x1xf32>
      %eq3A_83 = vector.broadcast %broadcast_in_dim3A_82 : vector<4x1x1xf32> to vector<4x8x512xf32>
      %eq3A_84 = arith.cmpf oeq, %min3A, %eq3A_83 : vector<4x8x512xf32>
      %jit3A_85 = arith.constant 4096 : i32
      %broadcast_in_dim3A_86 = vector.broadcast %jit3A_85 : i32 to vector<4x8x512xi32>
      %select_n3A_87 = arith.select %eq3A_84, %add3A, %broadcast_in_dim3A_86 : vector<4x8x512xi1>, vector<4x8x512xi32>
      %reduce_min3A = arith.constant dense<2147483647> : vector<4x8xi32>
      %reduce_min3A_88 = vector.multi_reduction <minsi>, %select_n3A_87, %reduce_min3A [2] : vector<4x8x512xi32> to vector<4x8xi32>
      %broadcast_in_dim3A_89 = vector.shape_cast %reduce_min3A_88 : vector<4x8xi32> to vector<4x8x1xi32>
      %reduce_min3A_90 = arith.constant dense<2147483647> : vector<4x1xi32>
      %reduce_min3A_91 = vector.multi_reduction <minsi>, %broadcast_in_dim3A_89, %reduce_min3A_90 [1] : vector<4x8x1xi32> to vector<4x1xi32>
      %broadcast_in_dim3A_92 = vector.shape_cast %reduce_min3A_91 : vector<4x1xi32> to vector<4x1x1xi32>
      scf.yield %min3A, %broadcast_in_dim3A_92, %select_n3A_77 : vector<4x8x512xf32>, vector<4x1x1xi32>, vector<4x8x1024xi32>
    }
    %scan3A_30 = arith.constant 1024 : i32
    %swap3A = arith.constant 0 : index
    %swap3A_31 = arith.constant 0 : index
    %swap3A_32 = arith.constant 0 : index
    %swap3A_33 = vector.load %arg1[%swap3A, %swap3A_31, %swap3A_32] : memref<4x8x1024xi32, #tpu.memory_space<vmem>>, vector<4x8x1024xi32>
    tpu.vector_store %arg1[%swap3A, %swap3A_31, %swap3A_32], %scan3A_29#2 {strides = array<i32>} : memref<4x8x1024xi32, #tpu.memory_space<vmem>>, vector<4x8x1024xi32>,
    return
  }
}

module attributes {stable_mosaic.version = 14 : i64} {
  func.func @_ball_kernel(%arg0: i32, %arg1: i32, %arg2: memref<1x3x32x128xf32, #tpu.memory_space<vmem>>, %arg3: memref<1x128x3xf32, #tpu.memory_space<vmem>>, %arg4: memref<1x128x32xi32, #tpu.memory_space<vmem>>) attributes {dimension_semantics = [#tpu.dimension_semantics<parallel>, #tpu.dimension_semantics<parallel>], iteration_bounds = array<i64: 4, 8>, scalar_prefetch = 0 : i64, scratch_operands = 0 : i64, tpu.core_type = #tpu.core_type<tc>, window_params = [{transform_indices = @transform_0, window_bounds = array<i64: 1, 3, 32, 128>}, {transform_indices = @transform_1, window_bounds = array<i64: 1, 128, 3>}, {transform_indices = @transform_2, window_bounds = array<i64: 1, 128, 32>}]} {
    %get3A = arith.constant 0 : index
    %get3A_0 = arith.constant 0 : index
    %get3A_1 = arith.constant 0 : index
    %get3A_2 = arith.constant 0 : index
    %get3A_3 = vector.load %arg2[%get3A, %get3A_0, %get3A_1, %get3A_2] : memref<1x3x32x128xf32, #tpu.memory_space<vmem>>, vector<1x1x32x128xf32>
    %get3A_4 = vector.shape_cast %get3A_3 : vector<1x1x32x128xf32> to vector<32x128xf32>
    %reshape3A = vector.shape_cast %get3A_4 : vector<32x128xf32> to vector<1x32x128xf32>
    %get3A_5 = arith.constant 0 : index
    %get3A_6 = arith.constant 1 : index
    %get3A_7 = arith.constant 0 : index
    %get3A_8 = arith.constant 0 : index
    %get3A_9 = vector.load %arg2[%get3A_5, %get3A_6, %get3A_7, %get3A_8] : memref<1x3x32x128xf32, #tpu.memory_space<vmem>>, vector<1x1x32x128xf32>
    %get3A_10 = vector.shape_cast %get3A_9 : vector<1x1x32x128xf32> to vector<32x128xf32>
    %reshape3A_11 = vector.shape_cast %get3A_10 : vector<32x128xf32> to vector<1x32x128xf32>
    %get3A_12 = arith.constant 0 : index
    %get3A_13 = arith.constant 2 : index
    %get3A_14 = arith.constant 0 : index
    %get3A_15 = arith.constant 0 : index
    %get3A_16 = vector.load %arg2[%get3A_12, %get3A_13, %get3A_14, %get3A_15] : memref<1x3x32x128xf32, #tpu.memory_space<vmem>>, vector<1x1x32x128xf32>
    %get3A_17 = vector.shape_cast %get3A_16 : vector<1x1x32x128xf32> to vector<32x128xf32>
    %reshape3A_18 = vector.shape_cast %get3A_17 : vector<32x128xf32> to vector<1x32x128xf32>
    %get3A_19 = arith.constant 0 : index
    %get3A_20 = arith.constant 0 : index
    %get3A_21 = arith.constant 0 : index
    %get3A_22 = vector.load %arg3[%get3A_19, %get3A_20, %get3A_21] : memref<1x128x3xf32, #tpu.memory_space<vmem>>, vector<1x128x1xf32>
    %get3A_23 = vector.shape_cast %get3A_22 : vector<1x128x1xf32> to vector<128x1xf32>
    %reshape3A_24 = vector.shape_cast %get3A_23 : vector<128x1xf32> to vector<128x1x1xf32>
    %get3A_25 = arith.constant 0 : index
    %get3A_26 = arith.constant 0 : index
    %get3A_27 = arith.constant 1 : index
    %get3A_28 = vector.load %arg3[%get3A_25, %get3A_26, %get3A_27] : memref<1x128x3xf32, #tpu.memory_space<vmem>>, vector<1x128x1xf32>
    %get3A_29 = vector.shape_cast %get3A_28 : vector<1x128x1xf32> to vector<128x1xf32>
    %reshape3A_30 = vector.shape_cast %get3A_29 : vector<128x1xf32> to vector<128x1x1xf32>
    %get3A_31 = arith.constant 0 : index
    %get3A_32 = arith.constant 0 : index
    %get3A_33 = arith.constant 2 : index
    %get3A_34 = vector.load %arg3[%get3A_31, %get3A_32, %get3A_33] : memref<1x128x3xf32, #tpu.memory_space<vmem>>, vector<1x128x1xf32>
    %get3A_35 = vector.shape_cast %get3A_34 : vector<1x128x1xf32> to vector<128x1xf32>
    %reshape3A_36 = vector.shape_cast %get3A_35 : vector<128x1xf32> to vector<128x1x1xf32>
    %convert_element_type3A = arith.truncf %reshape3A : vector<1x32x128xf32> to vector<1x32x128xbf16>
    %convert_element_type3A_37 = arith.extf %convert_element_type3A : vector<1x32x128xbf16> to vector<1x32x128xf32>
    %convert_element_type3A_38 = arith.truncf %reshape3A_11 : vector<1x32x128xf32> to vector<1x32x128xbf16>
    %convert_element_type3A_39 = arith.extf %convert_element_type3A_38 : vector<1x32x128xbf16> to vector<1x32x128xf32>
    %convert_element_type3A_40 = arith.truncf %reshape3A_18 : vector<1x32x128xf32> to vector<1x32x128xbf16>
    %convert_element_type3A_41 = arith.extf %convert_element_type3A_40 : vector<1x32x128xbf16> to vector<1x32x128xf32>
    %convert_element_type3A_42 = arith.truncf %reshape3A_24 : vector<128x1x1xf32> to vector<128x1x1xbf16>
    %convert_element_type3A_43 = arith.extf %convert_element_type3A_42 : vector<128x1x1xbf16> to vector<128x1x1xf32>
    %convert_element_type3A_44 = arith.truncf %reshape3A_30 : vector<128x1x1xf32> to vector<128x1x1xbf16>
    %convert_element_type3A_45 = arith.extf %convert_element_type3A_44 : vector<128x1x1xbf16> to vector<128x1x1xf32>
    %convert_element_type3A_46 = arith.truncf %reshape3A_36 : vector<128x1x1xf32> to vector<128x1x1xbf16>
    %convert_element_type3A_47 = arith.extf %convert_element_type3A_46 : vector<128x1x1xbf16> to vector<128x1x1xf32>
    %mul3A = vector.broadcast %convert_element_type3A_43 : vector<128x1x1xf32> to vector<128x32x128xf32>
    %mul3A_48 = vector.broadcast %convert_element_type3A_37 : vector<1x32x128xf32> to vector<128x32x128xf32>
    %mul3A_49 = arith.mulf %mul3A, %mul3A_48 : vector<128x32x128xf32>
    %mul3A_50 = vector.broadcast %convert_element_type3A_45 : vector<128x1x1xf32> to vector<128x32x128xf32>
    %mul3A_51 = vector.broadcast %convert_element_type3A_39 : vector<1x32x128xf32> to vector<128x32x128xf32>
    %mul3A_52 = arith.mulf %mul3A_50, %mul3A_51 : vector<128x32x128xf32>
    %add3A = arith.addf %mul3A_49, %mul3A_52 : vector<128x32x128xf32>
    %mul3A_53 = vector.broadcast %convert_element_type3A_47 : vector<128x1x1xf32> to vector<128x32x128xf32>
    %mul3A_54 = vector.broadcast %convert_element_type3A_41 : vector<1x32x128xf32> to vector<128x32x128xf32>
    %mul3A_55 = arith.mulf %mul3A_53, %mul3A_54 : vector<128x32x128xf32>
    %add3A_56 = arith.addf %add3A, %mul3A_55 : vector<128x32x128xf32>
    %mul3A_57 = arith.constant -2.000000e+00 : f32
    %mul3A_58 = vector.broadcast %mul3A_57 : f32 to vector<128x32x128xf32>
    %mul3A_59 = arith.mulf %mul3A_58, %add3A_56 : vector<128x32x128xf32>
    %mul3A_60 = arith.mulf %reshape3A_24, %reshape3A_24 : vector<128x1x1xf32>
    %mul3A_61 = arith.mulf %reshape3A_30, %reshape3A_30 : vector<128x1x1xf32>
    %add3A_62 = arith.addf %mul3A_60, %mul3A_61 : vector<128x1x1xf32>
    %mul3A_63 = arith.mulf %reshape3A_36, %reshape3A_36 : vector<128x1x1xf32>
    %add3A_64 = arith.addf %add3A_62, %mul3A_63 : vector<128x1x1xf32>
    %mul3A_65 = arith.mulf %reshape3A, %reshape3A : vector<1x32x128xf32>
    %mul3A_66 = arith.mulf %reshape3A_11, %reshape3A_11 : vector<1x32x128xf32>
    %add3A_67 = arith.addf %mul3A_65, %mul3A_66 : vector<1x32x128xf32>
    %mul3A_68 = arith.mulf %reshape3A_18, %reshape3A_18 : vector<1x32x128xf32>
    %add3A_69 = arith.addf %add3A_67, %mul3A_68 : vector<1x32x128xf32>
    %add3A_70 = vector.broadcast %add3A_64 : vector<128x1x1xf32> to vector<128x32x128xf32>
    %add3A_71 = arith.addf %mul3A_59, %add3A_70 : vector<128x32x128xf32>
    %add3A_72 = vector.broadcast %add3A_69 : vector<1x32x128xf32> to vector<128x32x128xf32>
    %add3A_73 = arith.addf %add3A_71, %add3A_72 : vector<128x32x128xf32>
    %gt3A = arith.constant 4.000000e-02 : f32
    %gt3A_74 = vector.broadcast %gt3A : f32 to vector<128x32x128xf32>
    %gt3A_75 = arith.cmpf ogt, %add3A_73, %gt3A_74 : vector<128x32x128xf32>
    %not3A = arith.constant dense<true> : vector<128x32x128xi1>
    %not3A_76 = arith.xori %gt3A_75, %not3A : vector<128x32x128xi1>
    %convert_element_type3A_77 = arith.extui %not3A_76 : vector<128x32x128xi1> to vector<128x32x128xi32>
    %convert_element_type3A_78 = arith.sitofp %convert_element_type3A_77 : vector<128x32x128xi32> to vector<128x32x128xf32>
    %iota3A = tpu.iota {dimensions = array<i32: 0>} : vector<128x128xi32>
    %iota3A_79 = tpu.iota {dimensions = array<i32: 1>} : vector<128x128xi32>
    %le3A = arith.cmpi sle, %iota3A, %iota3A_79 : vector<128x128xi32>
    %convert_element_type3A_80 = arith.extui %le3A : vector<128x128xi1> to vector<128x128xi32>
    %convert_element_type3A_81 = arith.sitofp %convert_element_type3A_80 : vector<128x128xi32> to vector<128x128xf32>
    %reshape3A_82 = vector.shape_cast %convert_element_type3A_78 : vector<128x32x128xf32> to vector<4096x128xf32>
    %dot_general3A = arith.constant dense<0.000000e+00> : vector<4096x128xf32>
    %dot_general3A_83 = tpu.matmul %reshape3A_82, %convert_element_type3A_81, %dot_general3A {dimension_numbers = #tpu.dot_dimension_numbers<[1], [0], [0], [1], [0, 0, 1, 1], [], []>, transpose_lhs_hint = false} : vector<4096x128xf32>, vector<128x128xf32>, vector<4096x128xf32> -> vector<4096x128xf32>
    %reshape3A_84 = vector.shape_cast %dot_general3A_83 : vector<4096x128xf32> to vector<128x32x128xf32>
    %reduce_sum3A = arith.constant dense<0.000000e+00> : vector<128x32xf32>
    %reduce_sum3A_85 = vector.multi_reduction <add>, %convert_element_type3A_78, %reduce_sum3A [2] : vector<128x32x128xf32> to vector<128x32xf32>
    %iota3A_86 = tpu.iota {dimensions = array<i32: 0>} : vector<32x32xi32>
    %iota3A_87 = tpu.iota {dimensions = array<i32: 1>} : vector<32x32xi32>
    %lt3A = arith.cmpi slt, %iota3A_86, %iota3A_87 : vector<32x32xi32>
    %convert_element_type3A_88 = arith.extui %lt3A : vector<32x32xi1> to vector<32x32xi32>
    %convert_element_type3A_89 = arith.sitofp %convert_element_type3A_88 : vector<32x32xi32> to vector<32x32xf32>
    %dot_general3A_90 = arith.constant dense<0.000000e+00> : vector<128x32xf32>
    %dot_general3A_91 = tpu.matmul %reduce_sum3A_85, %convert_element_type3A_89, %dot_general3A_90 {dimension_numbers = #tpu.dot_dimension_numbers<[1], [0], [0], [1], [0, 0, 1, 1], [], []>, transpose_lhs_hint = false} : vector<128x32xf32>, vector<32x32xf32>, vector<128x32xf32> -> vector<128x32xf32>
    %reshape3A_92 = vector.shape_cast %dot_general3A_91 : vector<128x32xf32> to vector<128x32x1xf32>
    %add3A_93 = vector.broadcast %reshape3A_92 : vector<128x32x1xf32> to vector<128x32x128xf32>
    %add3A_94 = arith.addf %add3A_93, %reshape3A_84 : vector<128x32x128xf32>
    %sub3A = arith.subf %add3A_94, %convert_element_type3A_78 : vector<128x32x128xf32>
    %iota3A_95 = tpu.iota {dimensions = array<i32: 1>} : vector<128x32x128xi32>
    %mul3A_96 = arith.constant 128 : i32
    %mul3A_97 = vector.broadcast %mul3A_96 : i32 to vector<128x32x128xi32>
    %mul3A_98 = arith.muli %iota3A_95, %mul3A_97 : vector<128x32x128xi32>
    %iota3A_99 = tpu.iota {dimensions = array<i32: 2>} : vector<128x32x128xi32>
    %add3A_100 = arith.addi %mul3A_98, %iota3A_99 : vector<128x32x128xi32>
    %jit3A = arith.constant 4096 : i32
    %broadcast_in_dim3A = vector.broadcast %jit3A : i32 to vector<128x32x128xi32>
    %select_n3A = arith.select %not3A_76, %add3A_100, %broadcast_in_dim3A : vector<128x32x128xi1>, vector<128x32x128xi32>
    %reduce_min3A = arith.constant dense<2147483647> : vector<128x32xi32>
    %reduce_min3A_101 = vector.multi_reduction <minsi>, %select_n3A, %reduce_min3A [2] : vector<128x32x128xi32> to vector<128x32xi32>
    %reduce_min3A_102 = arith.constant dense<2147483647> : vector<128xi32>
    %reduce_min3A_103 = vector.multi_reduction <minsi>, %reduce_min3A_101, %reduce_min3A_102 [1] : vector<128x32xi32> to vector<128xi32>
    %broadcast_in_dim3A_104 = vector.shape_cast %reduce_min3A_103 : vector<128xi32> to vector<128x1xi32>
    %reduce_sum3A_105 = arith.constant dense<0.000000e+00> : vector<128xf32>
    %reduce_sum3A_106 = vector.multi_reduction <add>, %reduce_sum3A_85, %reduce_sum3A_105 [1] : vector<128x32xf32> to vector<128xf32>
    %reshape3A_107 = vector.shape_cast %reduce_sum3A_106 : vector<128xf32> to vector<128x1xf32>
    %eq3A = arith.constant 0.000000e+00 : f32
    %eq3A_108 = vector.broadcast %eq3A : f32 to vector<128x32x128xf32>
    %eq3A_109 = arith.cmpf oeq, %sub3A, %eq3A_108 : vector<128x32x128xf32>
    %and3A = arith.andi %not3A_76, %eq3A_109 : vector<128x32x128xi1>
    %jit3A_110 = arith.constant 0 : i32
    %broadcast_in_dim3A_111 = vector.broadcast %jit3A_110 : i32 to vector<128x32x128xi32>
    %select_n3A_112 = arith.select %and3A, %add3A_100, %broadcast_in_dim3A_111 : vector<128x32x128xi1>, vector<128x32x128xi32>
    %reduce_sum3A_113 = arith.constant dense<0> : vector<128x32xi32>
    %reduce_sum3A_114 = vector.multi_reduction <add>, %select_n3A_112, %reduce_sum3A_113 [2] : vector<128x32x128xi32> to vector<128x32xi32>
    %reduce_sum3A_115 = arith.constant dense<0> : vector<128xi32>
    %reduce_sum3A_116 = vector.multi_reduction <add>, %reduce_sum3A_114, %reduce_sum3A_115 [1] : vector<128x32xi32> to vector<128xi32>
    %broadcast_in_dim3A_117 = vector.shape_cast %reduce_sum3A_116 : vector<128xi32> to vector<128x1xi32>
    %gt3A_118 = arith.constant 0.000000e+00 : f32
    %gt3A_119 = vector.broadcast %gt3A_118 : f32 to vector<128x1xf32>
    %gt3A_120 = arith.cmpf ogt, %reshape3A_107, %gt3A_119 : vector<128x1xf32>
    %select_n3A_121 = arith.select %gt3A_120, %broadcast_in_dim3A_117, %broadcast_in_dim3A_104 : vector<128x1xi1>, vector<128x1xi32>
    %eq3A_122 = arith.constant 1.000000e+00 : f32
    %eq3A_123 = vector.broadcast %eq3A_122 : f32 to vector<128x32x128xf32>
    %eq3A_124 = arith.cmpf oeq, %sub3A, %eq3A_123 : vector<128x32x128xf32>
    %and3A_125 = arith.andi %not3A_76, %eq3A_124 : vector<128x32x128xi1>
    %jit3A_126 = arith.constant 0 : i32
    %broadcast_in_dim3A_127 = vector.broadcast %jit3A_126 : i32 to vector<128x32x128xi32>
    %select_n3A_128 = arith.select %and3A_125, %add3A_100, %broadcast_in_dim3A_127 : vector<128x32x128xi1>, vector<128x32x128xi32>
    %reduce_sum3A_129 = arith.constant dense<0> : vector<128x32xi32>
    %reduce_sum3A_130 = vector.multi_reduction <add>, %select_n3A_128, %reduce_sum3A_129 [2] : vector<128x32x128xi32> to vector<128x32xi32>
    %reduce_sum3A_131 = arith.constant dense<0> : vector<128xi32>
    %reduce_sum3A_132 = vector.multi_reduction <add>, %reduce_sum3A_130, %reduce_sum3A_131 [1] : vector<128x32xi32> to vector<128xi32>
    %broadcast_in_dim3A_133 = vector.shape_cast %reduce_sum3A_132 : vector<128xi32> to vector<128x1xi32>
    %gt3A_134 = arith.constant 1.000000e+00 : f32
    %gt3A_135 = vector.broadcast %gt3A_134 : f32 to vector<128x1xf32>
    %gt3A_136 = arith.cmpf ogt, %reshape3A_107, %gt3A_135 : vector<128x1xf32>
    %select_n3A_137 = arith.select %gt3A_136, %broadcast_in_dim3A_133, %broadcast_in_dim3A_104 : vector<128x1xi1>, vector<128x1xi32>
    %eq3A_138 = arith.constant 2.000000e+00 : f32
    %eq3A_139 = vector.broadcast %eq3A_138 : f32 to vector<128x32x128xf32>
    %eq3A_140 = arith.cmpf oeq, %sub3A, %eq3A_139 : vector<128x32x128xf32>
    %and3A_141 = arith.andi %not3A_76, %eq3A_140 : vector<128x32x128xi1>
    %jit3A_142 = arith.constant 0 : i32
    %broadcast_in_dim3A_143 = vector.broadcast %jit3A_142 : i32 to vector<128x32x128xi32>
    %select_n3A_144 = arith.select %and3A_141, %add3A_100, %broadcast_in_dim3A_143 : vector<128x32x128xi1>, vector<128x32x128xi32>
    %reduce_sum3A_145 = arith.constant dense<0> : vector<128x32xi32>
    %reduce_sum3A_146 = vector.multi_reduction <add>, %select_n3A_144, %reduce_sum3A_145 [2] : vector<128x32x128xi32> to vector<128x32xi32>
    %reduce_sum3A_147 = arith.constant dense<0> : vector<128xi32>
    %reduce_sum3A_148 = vector.multi_reduction <add>, %reduce_sum3A_146, %reduce_sum3A_147 [1] : vector<128x32xi32> to vector<128xi32>
    %broadcast_in_dim3A_149 = vector.shape_cast %reduce_sum3A_148 : vector<128xi32> to vector<128x1xi32>
    %gt3A_150 = arith.constant 2.000000e+00 : f32
    %gt3A_151 = vector.broadcast %gt3A_150 : f32 to vector<128x1xf32>
    %gt3A_152 = arith.cmpf ogt, %reshape3A_107, %gt3A_151 : vector<128x1xf32>
    %select_n3A_153 = arith.select %gt3A_152, %broadcast_in_dim3A_149, %broadcast_in_dim3A_104 : vector<128x1xi1>, vector<128x1xi32>
    %eq3A_154 = arith.constant 3.000000e+00 : f32
    %eq3A_155 = vector.broadcast %eq3A_154 : f32 to vector<128x32x128xf32>
    %eq3A_156 = arith.cmpf oeq, %sub3A, %eq3A_155 : vector<128x32x128xf32>
    %and3A_157 = arith.andi %not3A_76, %eq3A_156 : vector<128x32x128xi1>
    %jit3A_158 = arith.constant 0 : i32
    %broadcast_in_dim3A_159 = vector.broadcast %jit3A_158 : i32 to vector<128x32x128xi32>
    %select_n3A_160 = arith.select %and3A_157, %add3A_100, %broadcast_in_dim3A_159 : vector<128x32x128xi1>, vector<128x32x128xi32>
    %reduce_sum3A_161 = arith.constant dense<0> : vector<128x32xi32>
    %reduce_sum3A_162 = vector.multi_reduction <add>, %select_n3A_160, %reduce_sum3A_161 [2] : vector<128x32x128xi32> to vector<128x32xi32>
    %reduce_sum3A_163 = arith.constant dense<0> : vector<128xi32>
    %reduce_sum3A_164 = vector.multi_reduction <add>, %reduce_sum3A_162, %reduce_sum3A_163 [1] : vector<128x32xi32> to vector<128xi32>
    %broadcast_in_dim3A_165 = vector.shape_cast %reduce_sum3A_164 : vector<128xi32> to vector<128x1xi32>
    %gt3A_166 = arith.constant 3.000000e+00 : f32
    %gt3A_167 = vector.broadcast %gt3A_166 : f32 to vector<128x1xf32>
    %gt3A_168 = arith.cmpf ogt, %reshape3A_107, %gt3A_167 : vector<128x1xf32>
    %select_n3A_169 = arith.select %gt3A_168, %broadcast_in_dim3A_165, %broadcast_in_dim3A_104 : vector<128x1xi1>, vector<128x1xi32>
    %eq3A_170 = arith.constant 4.000000e+00 : f32
    %eq3A_171 = vector.broadcast %eq3A_170 : f32 to vector<128x32x128xf32>
    %eq3A_172 = arith.cmpf oeq, %sub3A, %eq3A_171 : vector<128x32x128xf32>
    %and3A_173 = arith.andi %not3A_76, %eq3A_172 : vector<128x32x128xi1>
    %jit3A_174 = arith.constant 0 : i32
    %broadcast_in_dim3A_175 = vector.broadcast %jit3A_174 : i32 to vector<128x32x128xi32>
    %select_n3A_176 = arith.select %and3A_173, %add3A_100, %broadcast_in_dim3A_175 : vector<128x32x128xi1>, vector<128x32x128xi32>
    %reduce_sum3A_177 = arith.constant dense<0> : vector<128x32xi32>
    %reduce_sum3A_178 = vector.multi_reduction <add>, %select_n3A_176, %reduce_sum3A_177 [2] : vector<128x32x128xi32> to vector<128x32xi32>
    %reduce_sum3A_179 = arith.constant dense<0> : vector<128xi32>
    %reduce_sum3A_180 = vector.multi_reduction <add>, %reduce_sum3A_178, %reduce_sum3A_179 [1] : vector<128x32xi32> to vector<128xi32>
    %broadcast_in_dim3A_181 = vector.shape_cast %reduce_sum3A_180 : vector<128xi32> to vector<128x1xi32>
    %gt3A_182 = arith.constant 4.000000e+00 : f32
    %gt3A_183 = vector.broadcast %gt3A_182 : f32 to vector<128x1xf32>
    %gt3A_184 = arith.cmpf ogt, %reshape3A_107, %gt3A_183 : vector<128x1xf32>
    %select_n3A_185 = arith.select %gt3A_184, %broadcast_in_dim3A_181, %broadcast_in_dim3A_104 : vector<128x1xi1>, vector<128x1xi32>
    %eq3A_186 = arith.constant 5.000000e+00 : f32
    %eq3A_187 = vector.broadcast %eq3A_186 : f32 to vector<128x32x128xf32>
    %eq3A_188 = arith.cmpf oeq, %sub3A, %eq3A_187 : vector<128x32x128xf32>
    %and3A_189 = arith.andi %not3A_76, %eq3A_188 : vector<128x32x128xi1>
    %jit3A_190 = arith.constant 0 : i32
    %broadcast_in_dim3A_191 = vector.broadcast %jit3A_190 : i32 to vector<128x32x128xi32>
    %select_n3A_192 = arith.select %and3A_189, %add3A_100, %broadcast_in_dim3A_191 : vector<128x32x128xi1>, vector<128x32x128xi32>
    %reduce_sum3A_193 = arith.constant dense<0> : vector<128x32xi32>
    %reduce_sum3A_194 = vector.multi_reduction <add>, %select_n3A_192, %reduce_sum3A_193 [2] : vector<128x32x128xi32> to vector<128x32xi32>
    %reduce_sum3A_195 = arith.constant dense<0> : vector<128xi32>
    %reduce_sum3A_196 = vector.multi_reduction <add>, %reduce_sum3A_194, %reduce_sum3A_195 [1] : vector<128x32xi32> to vector<128xi32>
    %broadcast_in_dim3A_197 = vector.shape_cast %reduce_sum3A_196 : vector<128xi32> to vector<128x1xi32>
    %gt3A_198 = arith.constant 5.000000e+00 : f32
    %gt3A_199 = vector.broadcast %gt3A_198 : f32 to vector<128x1xf32>
    %gt3A_200 = arith.cmpf ogt, %reshape3A_107, %gt3A_199 : vector<128x1xf32>
    %select_n3A_201 = arith.select %gt3A_200, %broadcast_in_dim3A_197, %broadcast_in_dim3A_104 : vector<128x1xi1>, vector<128x1xi32>
    %eq3A_202 = arith.constant 6.000000e+00 : f32
    %eq3A_203 = vector.broadcast %eq3A_202 : f32 to vector<128x32x128xf32>
    %eq3A_204 = arith.cmpf oeq, %sub3A, %eq3A_203 : vector<128x32x128xf32>
    %and3A_205 = arith.andi %not3A_76, %eq3A_204 : vector<128x32x128xi1>
    %jit3A_206 = arith.constant 0 : i32
    %broadcast_in_dim3A_207 = vector.broadcast %jit3A_206 : i32 to vector<128x32x128xi32>
    %select_n3A_208 = arith.select %and3A_205, %add3A_100, %broadcast_in_dim3A_207 : vector<128x32x128xi1>, vector<128x32x128xi32>
    %reduce_sum3A_209 = arith.constant dense<0> : vector<128x32xi32>
    %reduce_sum3A_210 = vector.multi_reduction <add>, %select_n3A_208, %reduce_sum3A_209 [2] : vector<128x32x128xi32> to vector<128x32xi32>
    %reduce_sum3A_211 = arith.constant dense<0> : vector<128xi32>
    %reduce_sum3A_212 = vector.multi_reduction <add>, %reduce_sum3A_210, %reduce_sum3A_211 [1] : vector<128x32xi32> to vector<128xi32>
    %broadcast_in_dim3A_213 = vector.shape_cast %reduce_sum3A_212 : vector<128xi32> to vector<128x1xi32>
    %gt3A_214 = arith.constant 6.000000e+00 : f32
    %gt3A_215 = vector.broadcast %gt3A_214 : f32 to vector<128x1xf32>
    %gt3A_216 = arith.cmpf ogt, %reshape3A_107, %gt3A_215 : vector<128x1xf32>
    %select_n3A_217 = arith.select %gt3A_216, %broadcast_in_dim3A_213, %broadcast_in_dim3A_104 : vector<128x1xi1>, vector<128x1xi32>
    %eq3A_218 = arith.constant 7.000000e+00 : f32
    %eq3A_219 = vector.broadcast %eq3A_218 : f32 to vector<128x32x128xf32>
    %eq3A_220 = arith.cmpf oeq, %sub3A, %eq3A_219 : vector<128x32x128xf32>
    %and3A_221 = arith.andi %not3A_76, %eq3A_220 : vector<128x32x128xi1>
    %jit3A_222 = arith.constant 0 : i32
    %broadcast_in_dim3A_223 = vector.broadcast %jit3A_222 : i32 to vector<128x32x128xi32>
    %select_n3A_224 = arith.select %and3A_221, %add3A_100, %broadcast_in_dim3A_223 : vector<128x32x128xi1>, vector<128x32x128xi32>
    %reduce_sum3A_225 = arith.constant dense<0> : vector<128x32xi32>
    %reduce_sum3A_226 = vector.multi_reduction <add>, %select_n3A_224, %reduce_sum3A_225 [2] : vector<128x32x128xi32> to vector<128x32xi32>
    %reduce_sum3A_227 = arith.constant dense<0> : vector<128xi32>
    %reduce_sum3A_228 = vector.multi_reduction <add>, %reduce_sum3A_226, %reduce_sum3A_227 [1] : vector<128x32xi32> to vector<128xi32>
    %broadcast_in_dim3A_229 = vector.shape_cast %reduce_sum3A_228 : vector<128xi32> to vector<128x1xi32>
    %gt3A_230 = arith.constant 7.000000e+00 : f32
    %gt3A_231 = vector.broadcast %gt3A_230 : f32 to vector<128x1xf32>
    %gt3A_232 = arith.cmpf ogt, %reshape3A_107, %gt3A_231 : vector<128x1xf32>
    %select_n3A_233 = arith.select %gt3A_232, %broadcast_in_dim3A_229, %broadcast_in_dim3A_104 : vector<128x1xi1>, vector<128x1xi32>
    %eq3A_234 = arith.constant 8.000000e+00 : f32
    %eq3A_235 = vector.broadcast %eq3A_234 : f32 to vector<128x32x128xf32>
    %eq3A_236 = arith.cmpf oeq, %sub3A, %eq3A_235 : vector<128x32x128xf32>
    %and3A_237 = arith.andi %not3A_76, %eq3A_236 : vector<128x32x128xi1>
    %jit3A_238 = arith.constant 0 : i32
    %broadcast_in_dim3A_239 = vector.broadcast %jit3A_238 : i32 to vector<128x32x128xi32>
    %select_n3A_240 = arith.select %and3A_237, %add3A_100, %broadcast_in_dim3A_239 : vector<128x32x128xi1>, vector<128x32x128xi32>
    %reduce_sum3A_241 = arith.constant dense<0> : vector<128x32xi32>
    %reduce_sum3A_242 = vector.multi_reduction <add>, %select_n3A_240, %reduce_sum3A_241 [2] : vector<128x32x128xi32> to vector<128x32xi32>
    %reduce_sum3A_243 = arith.constant dense<0> : vector<128xi32>
    %reduce_sum3A_244 = vector.multi_reduction <add>, %reduce_sum3A_242, %reduce_sum3A_243 [1] : vector<128x32xi32> to vector<128xi32>
    %broadcast_in_dim3A_245 = vector.shape_cast %reduce_sum3A_244 : vector<128xi32> to vector<128x1xi32>
    %gt3A_246 = arith.constant 8.000000e+00 : f32
    %gt3A_247 = vector.broadcast %gt3A_246 : f32 to vector<128x1xf32>
    %gt3A_248 = arith.cmpf ogt, %reshape3A_107, %gt3A_247 : vector<128x1xf32>
    %select_n3A_249 = arith.select %gt3A_248, %broadcast_in_dim3A_245, %broadcast_in_dim3A_104 : vector<128x1xi1>, vector<128x1xi32>
    %eq3A_250 = arith.constant 9.000000e+00 : f32
    %eq3A_251 = vector.broadcast %eq3A_250 : f32 to vector<128x32x128xf32>
    %eq3A_252 = arith.cmpf oeq, %sub3A, %eq3A_251 : vector<128x32x128xf32>
    %and3A_253 = arith.andi %not3A_76, %eq3A_252 : vector<128x32x128xi1>
    %jit3A_254 = arith.constant 0 : i32
    %broadcast_in_dim3A_255 = vector.broadcast %jit3A_254 : i32 to vector<128x32x128xi32>
    %select_n3A_256 = arith.select %and3A_253, %add3A_100, %broadcast_in_dim3A_255 : vector<128x32x128xi1>, vector<128x32x128xi32>
    %reduce_sum3A_257 = arith.constant dense<0> : vector<128x32xi32>
    %reduce_sum3A_258 = vector.multi_reduction <add>, %select_n3A_256, %reduce_sum3A_257 [2] : vector<128x32x128xi32> to vector<128x32xi32>
    %reduce_sum3A_259 = arith.constant dense<0> : vector<128xi32>
    %reduce_sum3A_260 = vector.multi_reduction <add>, %reduce_sum3A_258, %reduce_sum3A_259 [1] : vector<128x32xi32> to vector<128xi32>
    %broadcast_in_dim3A_261 = vector.shape_cast %reduce_sum3A_260 : vector<128xi32> to vector<128x1xi32>
    %gt3A_262 = arith.constant 9.000000e+00 : f32
    %gt3A_263 = vector.broadcast %gt3A_262 : f32 to vector<128x1xf32>
    %gt3A_264 = arith.cmpf ogt, %reshape3A_107, %gt3A_263 : vector<128x1xf32>
    %select_n3A_265 = arith.select %gt3A_264, %broadcast_in_dim3A_261, %broadcast_in_dim3A_104 : vector<128x1xi1>, vector<128x1xi32>
    %eq3A_266 = arith.constant 1.000000e+01 : f32
    %eq3A_267 = vector.broadcast %eq3A_266 : f32 to vector<128x32x128xf32>
    %eq3A_268 = arith.cmpf oeq, %sub3A, %eq3A_267 : vector<128x32x128xf32>
    %and3A_269 = arith.andi %not3A_76, %eq3A_268 : vector<128x32x128xi1>
    %jit3A_270 = arith.constant 0 : i32
    %broadcast_in_dim3A_271 = vector.broadcast %jit3A_270 : i32 to vector<128x32x128xi32>
    %select_n3A_272 = arith.select %and3A_269, %add3A_100, %broadcast_in_dim3A_271 : vector<128x32x128xi1>, vector<128x32x128xi32>
    %reduce_sum3A_273 = arith.constant dense<0> : vector<128x32xi32>
    %reduce_sum3A_274 = vector.multi_reduction <add>, %select_n3A_272, %reduce_sum3A_273 [2] : vector<128x32x128xi32> to vector<128x32xi32>
    %reduce_sum3A_275 = arith.constant dense<0> : vector<128xi32>
    %reduce_sum3A_276 = vector.multi_reduction <add>, %reduce_sum3A_274, %reduce_sum3A_275 [1] : vector<128x32xi32> to vector<128xi32>
    %broadcast_in_dim3A_277 = vector.shape_cast %reduce_sum3A_276 : vector<128xi32> to vector<128x1xi32>
    %gt3A_278 = arith.constant 1.000000e+01 : f32
    %gt3A_279 = vector.broadcast %gt3A_278 : f32 to vector<128x1xf32>
    %gt3A_280 = arith.cmpf ogt, %reshape3A_107, %gt3A_279 : vector<128x1xf32>
    %select_n3A_281 = arith.select %gt3A_280, %broadcast_in_dim3A_277, %broadcast_in_dim3A_104 : vector<128x1xi1>, vector<128x1xi32>
    %eq3A_282 = arith.constant 1.100000e+01 : f32
    %eq3A_283 = vector.broadcast %eq3A_282 : f32 to vector<128x32x128xf32>
    %eq3A_284 = arith.cmpf oeq, %sub3A, %eq3A_283 : vector<128x32x128xf32>
    %and3A_285 = arith.andi %not3A_76, %eq3A_284 : vector<128x32x128xi1>
    %jit3A_286 = arith.constant 0 : i32
    %broadcast_in_dim3A_287 = vector.broadcast %jit3A_286 : i32 to vector<128x32x128xi32>
    %select_n3A_288 = arith.select %and3A_285, %add3A_100, %broadcast_in_dim3A_287 : vector<128x32x128xi1>, vector<128x32x128xi32>
    %reduce_sum3A_289 = arith.constant dense<0> : vector<128x32xi32>
    %reduce_sum3A_290 = vector.multi_reduction <add>, %select_n3A_288, %reduce_sum3A_289 [2] : vector<128x32x128xi32> to vector<128x32xi32>
    %reduce_sum3A_291 = arith.constant dense<0> : vector<128xi32>
    %reduce_sum3A_292 = vector.multi_reduction <add>, %reduce_sum3A_290, %reduce_sum3A_291 [1] : vector<128x32xi32> to vector<128xi32>
    %broadcast_in_dim3A_293 = vector.shape_cast %reduce_sum3A_292 : vector<128xi32> to vector<128x1xi32>
    %gt3A_294 = arith.constant 1.100000e+01 : f32
    %gt3A_295 = vector.broadcast %gt3A_294 : f32 to vector<128x1xf32>
    %gt3A_296 = arith.cmpf ogt, %reshape3A_107, %gt3A_295 : vector<128x1xf32>
    %select_n3A_297 = arith.select %gt3A_296, %broadcast_in_dim3A_293, %broadcast_in_dim3A_104 : vector<128x1xi1>, vector<128x1xi32>
    %eq3A_298 = arith.constant 1.200000e+01 : f32
    %eq3A_299 = vector.broadcast %eq3A_298 : f32 to vector<128x32x128xf32>
    %eq3A_300 = arith.cmpf oeq, %sub3A, %eq3A_299 : vector<128x32x128xf32>
    %and3A_301 = arith.andi %not3A_76, %eq3A_300 : vector<128x32x128xi1>
    %jit3A_302 = arith.constant 0 : i32
    %broadcast_in_dim3A_303 = vector.broadcast %jit3A_302 : i32 to vector<128x32x128xi32>
    %select_n3A_304 = arith.select %and3A_301, %add3A_100, %broadcast_in_dim3A_303 : vector<128x32x128xi1>, vector<128x32x128xi32>
    %reduce_sum3A_305 = arith.constant dense<0> : vector<128x32xi32>
    %reduce_sum3A_306 = vector.multi_reduction <add>, %select_n3A_304, %reduce_sum3A_305 [2] : vector<128x32x128xi32> to vector<128x32xi32>
    %reduce_sum3A_307 = arith.constant dense<0> : vector<128xi32>
    %reduce_sum3A_308 = vector.multi_reduction <add>, %reduce_sum3A_306, %reduce_sum3A_307 [1] : vector<128x32xi32> to vector<128xi32>
    %broadcast_in_dim3A_309 = vector.shape_cast %reduce_sum3A_308 : vector<128xi32> to vector<128x1xi32>
    %gt3A_310 = arith.constant 1.200000e+01 : f32
    %gt3A_311 = vector.broadcast %gt3A_310 : f32 to vector<128x1xf32>
    %gt3A_312 = arith.cmpf ogt, %reshape3A_107, %gt3A_311 : vector<128x1xf32>
    %select_n3A_313 = arith.select %gt3A_312, %broadcast_in_dim3A_309, %broadcast_in_dim3A_104 : vector<128x1xi1>, vector<128x1xi32>
    %eq3A_314 = arith.constant 1.300000e+01 : f32
    %eq3A_315 = vector.broadcast %eq3A_314 : f32 to vector<128x32x128xf32>
    %eq3A_316 = arith.cmpf oeq, %sub3A, %eq3A_315 : vector<128x32x128xf32>
    %and3A_317 = arith.andi %not3A_76, %eq3A_316 : vector<128x32x128xi1>
    %jit3A_318 = arith.constant 0 : i32
    %broadcast_in_dim3A_319 = vector.broadcast %jit3A_318 : i32 to vector<128x32x128xi32>
    %select_n3A_320 = arith.select %and3A_317, %add3A_100, %broadcast_in_dim3A_319 : vector<128x32x128xi1>, vector<128x32x128xi32>
    %reduce_sum3A_321 = arith.constant dense<0> : vector<128x32xi32>
    %reduce_sum3A_322 = vector.multi_reduction <add>, %select_n3A_320, %reduce_sum3A_321 [2] : vector<128x32x128xi32> to vector<128x32xi32>
    %reduce_sum3A_323 = arith.constant dense<0> : vector<128xi32>
    %reduce_sum3A_324 = vector.multi_reduction <add>, %reduce_sum3A_322, %reduce_sum3A_323 [1] : vector<128x32xi32> to vector<128xi32>
    %broadcast_in_dim3A_325 = vector.shape_cast %reduce_sum3A_324 : vector<128xi32> to vector<128x1xi32>
    %gt3A_326 = arith.constant 1.300000e+01 : f32
    %gt3A_327 = vector.broadcast %gt3A_326 : f32 to vector<128x1xf32>
    %gt3A_328 = arith.cmpf ogt, %reshape3A_107, %gt3A_327 : vector<128x1xf32>
    %select_n3A_329 = arith.select %gt3A_328, %broadcast_in_dim3A_325, %broadcast_in_dim3A_104 : vector<128x1xi1>, vector<128x1xi32>
    %eq3A_330 = arith.constant 1.400000e+01 : f32
    %eq3A_331 = vector.broadcast %eq3A_330 : f32 to vector<128x32x128xf32>
    %eq3A_332 = arith.cmpf oeq, %sub3A, %eq3A_331 : vector<128x32x128xf32>
    %and3A_333 = arith.andi %not3A_76, %eq3A_332 : vector<128x32x128xi1>
    %jit3A_334 = arith.constant 0 : i32
    %broadcast_in_dim3A_335 = vector.broadcast %jit3A_334 : i32 to vector<128x32x128xi32>
    %select_n3A_336 = arith.select %and3A_333, %add3A_100, %broadcast_in_dim3A_335 : vector<128x32x128xi1>, vector<128x32x128xi32>
    %reduce_sum3A_337 = arith.constant dense<0> : vector<128x32xi32>
    %reduce_sum3A_338 = vector.multi_reduction <add>, %select_n3A_336, %reduce_sum3A_337 [2] : vector<128x32x128xi32> to vector<128x32xi32>
    %reduce_sum3A_339 = arith.constant dense<0> : vector<128xi32>
    %reduce_sum3A_340 = vector.multi_reduction <add>, %reduce_sum3A_338, %reduce_sum3A_339 [1] : vector<128x32xi32> to vector<128xi32>
    %broadcast_in_dim3A_341 = vector.shape_cast %reduce_sum3A_340 : vector<128xi32> to vector<128x1xi32>
    %gt3A_342 = arith.constant 1.400000e+01 : f32
    %gt3A_343 = vector.broadcast %gt3A_342 : f32 to vector<128x1xf32>
    %gt3A_344 = arith.cmpf ogt, %reshape3A_107, %gt3A_343 : vector<128x1xf32>
    %select_n3A_345 = arith.select %gt3A_344, %broadcast_in_dim3A_341, %broadcast_in_dim3A_104 : vector<128x1xi1>, vector<128x1xi32>
    %eq3A_346 = arith.constant 1.500000e+01 : f32
    %eq3A_347 = vector.broadcast %eq3A_346 : f32 to vector<128x32x128xf32>
    %eq3A_348 = arith.cmpf oeq, %sub3A, %eq3A_347 : vector<128x32x128xf32>
    %and3A_349 = arith.andi %not3A_76, %eq3A_348 : vector<128x32x128xi1>
    %jit3A_350 = arith.constant 0 : i32
    %broadcast_in_dim3A_351 = vector.broadcast %jit3A_350 : i32 to vector<128x32x128xi32>
    %select_n3A_352 = arith.select %and3A_349, %add3A_100, %broadcast_in_dim3A_351 : vector<128x32x128xi1>, vector<128x32x128xi32>
    %reduce_sum3A_353 = arith.constant dense<0> : vector<128x32xi32>
    %reduce_sum3A_354 = vector.multi_reduction <add>, %select_n3A_352, %reduce_sum3A_353 [2] : vector<128x32x128xi32> to vector<128x32xi32>
    %reduce_sum3A_355 = arith.constant dense<0> : vector<128xi32>
    %reduce_sum3A_356 = vector.multi_reduction <add>, %reduce_sum3A_354, %reduce_sum3A_355 [1] : vector<128x32xi32> to vector<128xi32>
    %broadcast_in_dim3A_357 = vector.shape_cast %reduce_sum3A_356 : vector<128xi32> to vector<128x1xi32>
    %gt3A_358 = arith.constant 1.500000e+01 : f32
    %gt3A_359 = vector.broadcast %gt3A_358 : f32 to vector<128x1xf32>
    %gt3A_360 = arith.cmpf ogt, %reshape3A_107, %gt3A_359 : vector<128x1xf32>
    %select_n3A_361 = arith.select %gt3A_360, %broadcast_in_dim3A_357, %broadcast_in_dim3A_104 : vector<128x1xi1>, vector<128x1xi32>
    %eq3A_362 = arith.constant 1.600000e+01 : f32
    %eq3A_363 = vector.broadcast %eq3A_362 : f32 to vector<128x32x128xf32>
    %eq3A_364 = arith.cmpf oeq, %sub3A, %eq3A_363 : vector<128x32x128xf32>
    %and3A_365 = arith.andi %not3A_76, %eq3A_364 : vector<128x32x128xi1>
    %jit3A_366 = arith.constant 0 : i32
    %broadcast_in_dim3A_367 = vector.broadcast %jit3A_366 : i32 to vector<128x32x128xi32>
    %select_n3A_368 = arith.select %and3A_365, %add3A_100, %broadcast_in_dim3A_367 : vector<128x32x128xi1>, vector<128x32x128xi32>
    %reduce_sum3A_369 = arith.constant dense<0> : vector<128x32xi32>
    %reduce_sum3A_370 = vector.multi_reduction <add>, %select_n3A_368, %reduce_sum3A_369 [2] : vector<128x32x128xi32> to vector<128x32xi32>
    %reduce_sum3A_371 = arith.constant dense<0> : vector<128xi32>
    %reduce_sum3A_372 = vector.multi_reduction <add>, %reduce_sum3A_370, %reduce_sum3A_371 [1] : vector<128x32xi32> to vector<128xi32>
    %broadcast_in_dim3A_373 = vector.shape_cast %reduce_sum3A_372 : vector<128xi32> to vector<128x1xi32>
    %gt3A_374 = arith.constant 1.600000e+01 : f32
    %gt3A_375 = vector.broadcast %gt3A_374 : f32 to vector<128x1xf32>
    %gt3A_376 = arith.cmpf ogt, %reshape3A_107, %gt3A_375 : vector<128x1xf32>
    %select_n3A_377 = arith.select %gt3A_376, %broadcast_in_dim3A_373, %broadcast_in_dim3A_104 : vector<128x1xi1>, vector<128x1xi32>
    %eq3A_378 = arith.constant 1.700000e+01 : f32
    %eq3A_379 = vector.broadcast %eq3A_378 : f32 to vector<128x32x128xf32>
    %eq3A_380 = arith.cmpf oeq, %sub3A, %eq3A_379 : vector<128x32x128xf32>
    %and3A_381 = arith.andi %not3A_76, %eq3A_380 : vector<128x32x128xi1>
    %jit3A_382 = arith.constant 0 : i32
    %broadcast_in_dim3A_383 = vector.broadcast %jit3A_382 : i32 to vector<128x32x128xi32>
    %select_n3A_384 = arith.select %and3A_381, %add3A_100, %broadcast_in_dim3A_383 : vector<128x32x128xi1>, vector<128x32x128xi32>
    %reduce_sum3A_385 = arith.constant dense<0> : vector<128x32xi32>
    %reduce_sum3A_386 = vector.multi_reduction <add>, %select_n3A_384, %reduce_sum3A_385 [2] : vector<128x32x128xi32> to vector<128x32xi32>
    %reduce_sum3A_387 = arith.constant dense<0> : vector<128xi32>
    %reduce_sum3A_388 = vector.multi_reduction <add>, %reduce_sum3A_386, %reduce_sum3A_387 [1] : vector<128x32xi32> to vector<128xi32>
    %broadcast_in_dim3A_389 = vector.shape_cast %reduce_sum3A_388 : vector<128xi32> to vector<128x1xi32>
    %gt3A_390 = arith.constant 1.700000e+01 : f32
    %gt3A_391 = vector.broadcast %gt3A_390 : f32 to vector<128x1xf32>
    %gt3A_392 = arith.cmpf ogt, %reshape3A_107, %gt3A_391 : vector<128x1xf32>
    %select_n3A_393 = arith.select %gt3A_392, %broadcast_in_dim3A_389, %broadcast_in_dim3A_104 : vector<128x1xi1>, vector<128x1xi32>
    %eq3A_394 = arith.constant 1.800000e+01 : f32
    %eq3A_395 = vector.broadcast %eq3A_394 : f32 to vector<128x32x128xf32>
    %eq3A_396 = arith.cmpf oeq, %sub3A, %eq3A_395 : vector<128x32x128xf32>
    %and3A_397 = arith.andi %not3A_76, %eq3A_396 : vector<128x32x128xi1>
    %jit3A_398 = arith.constant 0 : i32
    %broadcast_in_dim3A_399 = vector.broadcast %jit3A_398 : i32 to vector<128x32x128xi32>
    %select_n3A_400 = arith.select %and3A_397, %add3A_100, %broadcast_in_dim3A_399 : vector<128x32x128xi1>, vector<128x32x128xi32>
    %reduce_sum3A_401 = arith.constant dense<0> : vector<128x32xi32>
    %reduce_sum3A_402 = vector.multi_reduction <add>, %select_n3A_400, %reduce_sum3A_401 [2] : vector<128x32x128xi32> to vector<128x32xi32>
    %reduce_sum3A_403 = arith.constant dense<0> : vector<128xi32>
    %reduce_sum3A_404 = vector.multi_reduction <add>, %reduce_sum3A_402, %reduce_sum3A_403 [1] : vector<128x32xi32> to vector<128xi32>
    %broadcast_in_dim3A_405 = vector.shape_cast %reduce_sum3A_404 : vector<128xi32> to vector<128x1xi32>
    %gt3A_406 = arith.constant 1.800000e+01 : f32
    %gt3A_407 = vector.broadcast %gt3A_406 : f32 to vector<128x1xf32>
    %gt3A_408 = arith.cmpf ogt, %reshape3A_107, %gt3A_407 : vector<128x1xf32>
    %select_n3A_409 = arith.select %gt3A_408, %broadcast_in_dim3A_405, %broadcast_in_dim3A_104 : vector<128x1xi1>, vector<128x1xi32>
    %eq3A_410 = arith.constant 1.900000e+01 : f32
    %eq3A_411 = vector.broadcast %eq3A_410 : f32 to vector<128x32x128xf32>
    %eq3A_412 = arith.cmpf oeq, %sub3A, %eq3A_411 : vector<128x32x128xf32>
    %and3A_413 = arith.andi %not3A_76, %eq3A_412 : vector<128x32x128xi1>
    %jit3A_414 = arith.constant 0 : i32
    %broadcast_in_dim3A_415 = vector.broadcast %jit3A_414 : i32 to vector<128x32x128xi32>
    %select_n3A_416 = arith.select %and3A_413, %add3A_100, %broadcast_in_dim3A_415 : vector<128x32x128xi1>, vector<128x32x128xi32>
    %reduce_sum3A_417 = arith.constant dense<0> : vector<128x32xi32>
    %reduce_sum3A_418 = vector.multi_reduction <add>, %select_n3A_416, %reduce_sum3A_417 [2] : vector<128x32x128xi32> to vector<128x32xi32>
    %reduce_sum3A_419 = arith.constant dense<0> : vector<128xi32>
    %reduce_sum3A_420 = vector.multi_reduction <add>, %reduce_sum3A_418, %reduce_sum3A_419 [1] : vector<128x32xi32> to vector<128xi32>
    %broadcast_in_dim3A_421 = vector.shape_cast %reduce_sum3A_420 : vector<128xi32> to vector<128x1xi32>
    %gt3A_422 = arith.constant 1.900000e+01 : f32
    %gt3A_423 = vector.broadcast %gt3A_422 : f32 to vector<128x1xf32>
    %gt3A_424 = arith.cmpf ogt, %reshape3A_107, %gt3A_423 : vector<128x1xf32>
    %select_n3A_425 = arith.select %gt3A_424, %broadcast_in_dim3A_421, %broadcast_in_dim3A_104 : vector<128x1xi1>, vector<128x1xi32>
    %eq3A_426 = arith.constant 2.000000e+01 : f32
    %eq3A_427 = vector.broadcast %eq3A_426 : f32 to vector<128x32x128xf32>
    %eq3A_428 = arith.cmpf oeq, %sub3A, %eq3A_427 : vector<128x32x128xf32>
    %and3A_429 = arith.andi %not3A_76, %eq3A_428 : vector<128x32x128xi1>
    %jit3A_430 = arith.constant 0 : i32
    %broadcast_in_dim3A_431 = vector.broadcast %jit3A_430 : i32 to vector<128x32x128xi32>
    %select_n3A_432 = arith.select %and3A_429, %add3A_100, %broadcast_in_dim3A_431 : vector<128x32x128xi1>, vector<128x32x128xi32>
    %reduce_sum3A_433 = arith.constant dense<0> : vector<128x32xi32>
    %reduce_sum3A_434 = vector.multi_reduction <add>, %select_n3A_432, %reduce_sum3A_433 [2] : vector<128x32x128xi32> to vector<128x32xi32>
    %reduce_sum3A_435 = arith.constant dense<0> : vector<128xi32>
    %reduce_sum3A_436 = vector.multi_reduction <add>, %reduce_sum3A_434, %reduce_sum3A_435 [1] : vector<128x32xi32> to vector<128xi32>
    %broadcast_in_dim3A_437 = vector.shape_cast %reduce_sum3A_436 : vector<128xi32> to vector<128x1xi32>
    %gt3A_438 = arith.constant 2.000000e+01 : f32
    %gt3A_439 = vector.broadcast %gt3A_438 : f32 to vector<128x1xf32>
    %gt3A_440 = arith.cmpf ogt, %reshape3A_107, %gt3A_439 : vector<128x1xf32>
    %select_n3A_441 = arith.select %gt3A_440, %broadcast_in_dim3A_437, %broadcast_in_dim3A_104 : vector<128x1xi1>, vector<128x1xi32>
    %eq3A_442 = arith.constant 2.100000e+01 : f32
    %eq3A_443 = vector.broadcast %eq3A_442 : f32 to vector<128x32x128xf32>
    %eq3A_444 = arith.cmpf oeq, %sub3A, %eq3A_443 : vector<128x32x128xf32>
    %and3A_445 = arith.andi %not3A_76, %eq3A_444 : vector<128x32x128xi1>
    %jit3A_446 = arith.constant 0 : i32
    %broadcast_in_dim3A_447 = vector.broadcast %jit3A_446 : i32 to vector<128x32x128xi32>
    %select_n3A_448 = arith.select %and3A_445, %add3A_100, %broadcast_in_dim3A_447 : vector<128x32x128xi1>, vector<128x32x128xi32>
    %reduce_sum3A_449 = arith.constant dense<0> : vector<128x32xi32>
    %reduce_sum3A_450 = vector.multi_reduction <add>, %select_n3A_448, %reduce_sum3A_449 [2] : vector<128x32x128xi32> to vector<128x32xi32>
    %reduce_sum3A_451 = arith.constant dense<0> : vector<128xi32>
    %reduce_sum3A_452 = vector.multi_reduction <add>, %reduce_sum3A_450, %reduce_sum3A_451 [1] : vector<128x32xi32> to vector<128xi32>
    %broadcast_in_dim3A_453 = vector.shape_cast %reduce_sum3A_452 : vector<128xi32> to vector<128x1xi32>
    %gt3A_454 = arith.constant 2.100000e+01 : f32
    %gt3A_455 = vector.broadcast %gt3A_454 : f32 to vector<128x1xf32>
    %gt3A_456 = arith.cmpf ogt, %reshape3A_107, %gt3A_455 : vector<128x1xf32>
    %select_n3A_457 = arith.select %gt3A_456, %broadcast_in_dim3A_453, %broadcast_in_dim3A_104 : vector<128x1xi1>, vector<128x1xi32>
    %eq3A_458 = arith.constant 2.200000e+01 : f32
    %eq3A_459 = vector.broadcast %eq3A_458 : f32 to vector<128x32x128xf32>
    %eq3A_460 = arith.cmpf oeq, %sub3A, %eq3A_459 : vector<128x32x128xf32>
    %and3A_461 = arith.andi %not3A_76, %eq3A_460 : vector<128x32x128xi1>
    %jit3A_462 = arith.constant 0 : i32
    %broadcast_in_dim3A_463 = vector.broadcast %jit3A_462 : i32 to vector<128x32x128xi32>
    %select_n3A_464 = arith.select %and3A_461, %add3A_100, %broadcast_in_dim3A_463 : vector<128x32x128xi1>, vector<128x32x128xi32>
    %reduce_sum3A_465 = arith.constant dense<0> : vector<128x32xi32>
    %reduce_sum3A_466 = vector.multi_reduction <add>, %select_n3A_464, %reduce_sum3A_465 [2] : vector<128x32x128xi32> to vector<128x32xi32>
    %reduce_sum3A_467 = arith.constant dense<0> : vector<128xi32>
    %reduce_sum3A_468 = vector.multi_reduction <add>, %reduce_sum3A_466, %reduce_sum3A_467 [1] : vector<128x32xi32> to vector<128xi32>
    %broadcast_in_dim3A_469 = vector.shape_cast %reduce_sum3A_468 : vector<128xi32> to vector<128x1xi32>
    %gt3A_470 = arith.constant 2.200000e+01 : f32
    %gt3A_471 = vector.broadcast %gt3A_470 : f32 to vector<128x1xf32>
    %gt3A_472 = arith.cmpf ogt, %reshape3A_107, %gt3A_471 : vector<128x1xf32>
    %select_n3A_473 = arith.select %gt3A_472, %broadcast_in_dim3A_469, %broadcast_in_dim3A_104 : vector<128x1xi1>, vector<128x1xi32>
    %eq3A_474 = arith.constant 2.300000e+01 : f32
    %eq3A_475 = vector.broadcast %eq3A_474 : f32 to vector<128x32x128xf32>
    %eq3A_476 = arith.cmpf oeq, %sub3A, %eq3A_475 : vector<128x32x128xf32>
    %and3A_477 = arith.andi %not3A_76, %eq3A_476 : vector<128x32x128xi1>
    %jit3A_478 = arith.constant 0 : i32
    %broadcast_in_dim3A_479 = vector.broadcast %jit3A_478 : i32 to vector<128x32x128xi32>
    %select_n3A_480 = arith.select %and3A_477, %add3A_100, %broadcast_in_dim3A_479 : vector<128x32x128xi1>, vector<128x32x128xi32>
    %reduce_sum3A_481 = arith.constant dense<0> : vector<128x32xi32>
    %reduce_sum3A_482 = vector.multi_reduction <add>, %select_n3A_480, %reduce_sum3A_481 [2] : vector<128x32x128xi32> to vector<128x32xi32>
    %reduce_sum3A_483 = arith.constant dense<0> : vector<128xi32>
    %reduce_sum3A_484 = vector.multi_reduction <add>, %reduce_sum3A_482, %reduce_sum3A_483 [1] : vector<128x32xi32> to vector<128xi32>
    %broadcast_in_dim3A_485 = vector.shape_cast %reduce_sum3A_484 : vector<128xi32> to vector<128x1xi32>
    %gt3A_486 = arith.constant 2.300000e+01 : f32
    %gt3A_487 = vector.broadcast %gt3A_486 : f32 to vector<128x1xf32>
    %gt3A_488 = arith.cmpf ogt, %reshape3A_107, %gt3A_487 : vector<128x1xf32>
    %select_n3A_489 = arith.select %gt3A_488, %broadcast_in_dim3A_485, %broadcast_in_dim3A_104 : vector<128x1xi1>, vector<128x1xi32>
    %eq3A_490 = arith.constant 2.400000e+01 : f32
    %eq3A_491 = vector.broadcast %eq3A_490 : f32 to vector<128x32x128xf32>
    %eq3A_492 = arith.cmpf oeq, %sub3A, %eq3A_491 : vector<128x32x128xf32>
    %and3A_493 = arith.andi %not3A_76, %eq3A_492 : vector<128x32x128xi1>
    %jit3A_494 = arith.constant 0 : i32
    %broadcast_in_dim3A_495 = vector.broadcast %jit3A_494 : i32 to vector<128x32x128xi32>
    %select_n3A_496 = arith.select %and3A_493, %add3A_100, %broadcast_in_dim3A_495 : vector<128x32x128xi1>, vector<128x32x128xi32>
    %reduce_sum3A_497 = arith.constant dense<0> : vector<128x32xi32>
    %reduce_sum3A_498 = vector.multi_reduction <add>, %select_n3A_496, %reduce_sum3A_497 [2] : vector<128x32x128xi32> to vector<128x32xi32>
    %reduce_sum3A_499 = arith.constant dense<0> : vector<128xi32>
    %reduce_sum3A_500 = vector.multi_reduction <add>, %reduce_sum3A_498, %reduce_sum3A_499 [1] : vector<128x32xi32> to vector<128xi32>
    %broadcast_in_dim3A_501 = vector.shape_cast %reduce_sum3A_500 : vector<128xi32> to vector<128x1xi32>
    %gt3A_502 = arith.constant 2.400000e+01 : f32
    %gt3A_503 = vector.broadcast %gt3A_502 : f32 to vector<128x1xf32>
    %gt3A_504 = arith.cmpf ogt, %reshape3A_107, %gt3A_503 : vector<128x1xf32>
    %select_n3A_505 = arith.select %gt3A_504, %broadcast_in_dim3A_501, %broadcast_in_dim3A_104 : vector<128x1xi1>, vector<128x1xi32>
    %eq3A_506 = arith.constant 2.500000e+01 : f32
    %eq3A_507 = vector.broadcast %eq3A_506 : f32 to vector<128x32x128xf32>
    %eq3A_508 = arith.cmpf oeq, %sub3A, %eq3A_507 : vector<128x32x128xf32>
    %and3A_509 = arith.andi %not3A_76, %eq3A_508 : vector<128x32x128xi1>
    %jit3A_510 = arith.constant 0 : i32
    %broadcast_in_dim3A_511 = vector.broadcast %jit3A_510 : i32 to vector<128x32x128xi32>
    %select_n3A_512 = arith.select %and3A_509, %add3A_100, %broadcast_in_dim3A_511 : vector<128x32x128xi1>, vector<128x32x128xi32>
    %reduce_sum3A_513 = arith.constant dense<0> : vector<128x32xi32>
    %reduce_sum3A_514 = vector.multi_reduction <add>, %select_n3A_512, %reduce_sum3A_513 [2] : vector<128x32x128xi32> to vector<128x32xi32>
    %reduce_sum3A_515 = arith.constant dense<0> : vector<128xi32>
    %reduce_sum3A_516 = vector.multi_reduction <add>, %reduce_sum3A_514, %reduce_sum3A_515 [1] : vector<128x32xi32> to vector<128xi32>
    %broadcast_in_dim3A_517 = vector.shape_cast %reduce_sum3A_516 : vector<128xi32> to vector<128x1xi32>
    %gt3A_518 = arith.constant 2.500000e+01 : f32
    %gt3A_519 = vector.broadcast %gt3A_518 : f32 to vector<128x1xf32>
    %gt3A_520 = arith.cmpf ogt, %reshape3A_107, %gt3A_519 : vector<128x1xf32>
    %select_n3A_521 = arith.select %gt3A_520, %broadcast_in_dim3A_517, %broadcast_in_dim3A_104 : vector<128x1xi1>, vector<128x1xi32>
    %eq3A_522 = arith.constant 2.600000e+01 : f32
    %eq3A_523 = vector.broadcast %eq3A_522 : f32 to vector<128x32x128xf32>
    %eq3A_524 = arith.cmpf oeq, %sub3A, %eq3A_523 : vector<128x32x128xf32>
    %and3A_525 = arith.andi %not3A_76, %eq3A_524 : vector<128x32x128xi1>
    %jit3A_526 = arith.constant 0 : i32
    %broadcast_in_dim3A_527 = vector.broadcast %jit3A_526 : i32 to vector<128x32x128xi32>
    %select_n3A_528 = arith.select %and3A_525, %add3A_100, %broadcast_in_dim3A_527 : vector<128x32x128xi1>, vector<128x32x128xi32>
    %reduce_sum3A_529 = arith.constant dense<0> : vector<128x32xi32>
    %reduce_sum3A_530 = vector.multi_reduction <add>, %select_n3A_528, %reduce_sum3A_529 [2] : vector<128x32x128xi32> to vector<128x32xi32>
    %reduce_sum3A_531 = arith.constant dense<0> : vector<128xi32>
    %reduce_sum3A_532 = vector.multi_reduction <add>, %reduce_sum3A_530, %reduce_sum3A_531 [1] : vector<128x32xi32> to vector<128xi32>
    %broadcast_in_dim3A_533 = vector.shape_cast %reduce_sum3A_532 : vector<128xi32> to vector<128x1xi32>
    %gt3A_534 = arith.constant 2.600000e+01 : f32
    %gt3A_535 = vector.broadcast %gt3A_534 : f32 to vector<128x1xf32>
    %gt3A_536 = arith.cmpf ogt, %reshape3A_107, %gt3A_535 : vector<128x1xf32>
    %select_n3A_537 = arith.select %gt3A_536, %broadcast_in_dim3A_533, %broadcast_in_dim3A_104 : vector<128x1xi1>, vector<128x1xi32>
    %eq3A_538 = arith.constant 2.700000e+01 : f32
    %eq3A_539 = vector.broadcast %eq3A_538 : f32 to vector<128x32x128xf32>
    %eq3A_540 = arith.cmpf oeq, %sub3A, %eq3A_539 : vector<128x32x128xf32>
    %and3A_541 = arith.andi %not3A_76, %eq3A_540 : vector<128x32x128xi1>
    %jit3A_542 = arith.constant 0 : i32
    %broadcast_in_dim3A_543 = vector.broadcast %jit3A_542 : i32 to vector<128x32x128xi32>
    %select_n3A_544 = arith.select %and3A_541, %add3A_100, %broadcast_in_dim3A_543 : vector<128x32x128xi1>, vector<128x32x128xi32>
    %reduce_sum3A_545 = arith.constant dense<0> : vector<128x32xi32>
    %reduce_sum3A_546 = vector.multi_reduction <add>, %select_n3A_544, %reduce_sum3A_545 [2] : vector<128x32x128xi32> to vector<128x32xi32>
    %reduce_sum3A_547 = arith.constant dense<0> : vector<128xi32>
    %reduce_sum3A_548 = vector.multi_reduction <add>, %reduce_sum3A_546, %reduce_sum3A_547 [1] : vector<128x32xi32> to vector<128xi32>
    %broadcast_in_dim3A_549 = vector.shape_cast %reduce_sum3A_548 : vector<128xi32> to vector<128x1xi32>
    %gt3A_550 = arith.constant 2.700000e+01 : f32
    %gt3A_551 = vector.broadcast %gt3A_550 : f32 to vector<128x1xf32>
    %gt3A_552 = arith.cmpf ogt, %reshape3A_107, %gt3A_551 : vector<128x1xf32>
    %select_n3A_553 = arith.select %gt3A_552, %broadcast_in_dim3A_549, %broadcast_in_dim3A_104 : vector<128x1xi1>, vector<128x1xi32>
    %eq3A_554 = arith.constant 2.800000e+01 : f32
    %eq3A_555 = vector.broadcast %eq3A_554 : f32 to vector<128x32x128xf32>
    %eq3A_556 = arith.cmpf oeq, %sub3A, %eq3A_555 : vector<128x32x128xf32>
    %and3A_557 = arith.andi %not3A_76, %eq3A_556 : vector<128x32x128xi1>
    %jit3A_558 = arith.constant 0 : i32
    %broadcast_in_dim3A_559 = vector.broadcast %jit3A_558 : i32 to vector<128x32x128xi32>
    %select_n3A_560 = arith.select %and3A_557, %add3A_100, %broadcast_in_dim3A_559 : vector<128x32x128xi1>, vector<128x32x128xi32>
    %reduce_sum3A_561 = arith.constant dense<0> : vector<128x32xi32>
    %reduce_sum3A_562 = vector.multi_reduction <add>, %select_n3A_560, %reduce_sum3A_561 [2] : vector<128x32x128xi32> to vector<128x32xi32>
    %reduce_sum3A_563 = arith.constant dense<0> : vector<128xi32>
    %reduce_sum3A_564 = vector.multi_reduction <add>, %reduce_sum3A_562, %reduce_sum3A_563 [1] : vector<128x32xi32> to vector<128xi32>
    %broadcast_in_dim3A_565 = vector.shape_cast %reduce_sum3A_564 : vector<128xi32> to vector<128x1xi32>
    %gt3A_566 = arith.constant 2.800000e+01 : f32
    %gt3A_567 = vector.broadcast %gt3A_566 : f32 to vector<128x1xf32>
    %gt3A_568 = arith.cmpf ogt, %reshape3A_107, %gt3A_567 : vector<128x1xf32>
    %select_n3A_569 = arith.select %gt3A_568, %broadcast_in_dim3A_565, %broadcast_in_dim3A_104 : vector<128x1xi1>, vector<128x1xi32>
    %eq3A_570 = arith.constant 2.900000e+01 : f32
    %eq3A_571 = vector.broadcast %eq3A_570 : f32 to vector<128x32x128xf32>
    %eq3A_572 = arith.cmpf oeq, %sub3A, %eq3A_571 : vector<128x32x128xf32>
    %and3A_573 = arith.andi %not3A_76, %eq3A_572 : vector<128x32x128xi1>
    %jit3A_574 = arith.constant 0 : i32
    %broadcast_in_dim3A_575 = vector.broadcast %jit3A_574 : i32 to vector<128x32x128xi32>
    %select_n3A_576 = arith.select %and3A_573, %add3A_100, %broadcast_in_dim3A_575 : vector<128x32x128xi1>, vector<128x32x128xi32>
    %reduce_sum3A_577 = arith.constant dense<0> : vector<128x32xi32>
    %reduce_sum3A_578 = vector.multi_reduction <add>, %select_n3A_576, %reduce_sum3A_577 [2] : vector<128x32x128xi32> to vector<128x32xi32>
    %reduce_sum3A_579 = arith.constant dense<0> : vector<128xi32>
    %reduce_sum3A_580 = vector.multi_reduction <add>, %reduce_sum3A_578, %reduce_sum3A_579 [1] : vector<128x32xi32> to vector<128xi32>
    %broadcast_in_dim3A_581 = vector.shape_cast %reduce_sum3A_580 : vector<128xi32> to vector<128x1xi32>
    %gt3A_582 = arith.constant 2.900000e+01 : f32
    %gt3A_583 = vector.broadcast %gt3A_582 : f32 to vector<128x1xf32>
    %gt3A_584 = arith.cmpf ogt, %reshape3A_107, %gt3A_583 : vector<128x1xf32>
    %select_n3A_585 = arith.select %gt3A_584, %broadcast_in_dim3A_581, %broadcast_in_dim3A_104 : vector<128x1xi1>, vector<128x1xi32>
    %eq3A_586 = arith.constant 3.000000e+01 : f32
    %eq3A_587 = vector.broadcast %eq3A_586 : f32 to vector<128x32x128xf32>
    %eq3A_588 = arith.cmpf oeq, %sub3A, %eq3A_587 : vector<128x32x128xf32>
    %and3A_589 = arith.andi %not3A_76, %eq3A_588 : vector<128x32x128xi1>
    %jit3A_590 = arith.constant 0 : i32
    %broadcast_in_dim3A_591 = vector.broadcast %jit3A_590 : i32 to vector<128x32x128xi32>
    %select_n3A_592 = arith.select %and3A_589, %add3A_100, %broadcast_in_dim3A_591 : vector<128x32x128xi1>, vector<128x32x128xi32>
    %reduce_sum3A_593 = arith.constant dense<0> : vector<128x32xi32>
    %reduce_sum3A_594 = vector.multi_reduction <add>, %select_n3A_592, %reduce_sum3A_593 [2] : vector<128x32x128xi32> to vector<128x32xi32>
    %reduce_sum3A_595 = arith.constant dense<0> : vector<128xi32>
    %reduce_sum3A_596 = vector.multi_reduction <add>, %reduce_sum3A_594, %reduce_sum3A_595 [1] : vector<128x32xi32> to vector<128xi32>
    %broadcast_in_dim3A_597 = vector.shape_cast %reduce_sum3A_596 : vector<128xi32> to vector<128x1xi32>
    %gt3A_598 = arith.constant 3.000000e+01 : f32
    %gt3A_599 = vector.broadcast %gt3A_598 : f32 to vector<128x1xf32>
    %gt3A_600 = arith.cmpf ogt, %reshape3A_107, %gt3A_599 : vector<128x1xf32>
    %select_n3A_601 = arith.select %gt3A_600, %broadcast_in_dim3A_597, %broadcast_in_dim3A_104 : vector<128x1xi1>, vector<128x1xi32>
    %eq3A_602 = arith.constant 3.100000e+01 : f32
    %eq3A_603 = vector.broadcast %eq3A_602 : f32 to vector<128x32x128xf32>
    %eq3A_604 = arith.cmpf oeq, %sub3A, %eq3A_603 : vector<128x32x128xf32>
    %and3A_605 = arith.andi %not3A_76, %eq3A_604 : vector<128x32x128xi1>
    %jit3A_606 = arith.constant 0 : i32
    %broadcast_in_dim3A_607 = vector.broadcast %jit3A_606 : i32 to vector<128x32x128xi32>
    %select_n3A_608 = arith.select %and3A_605, %add3A_100, %broadcast_in_dim3A_607 : vector<128x32x128xi1>, vector<128x32x128xi32>
    %reduce_sum3A_609 = arith.constant dense<0> : vector<128x32xi32>
    %reduce_sum3A_610 = vector.multi_reduction <add>, %select_n3A_608, %reduce_sum3A_609 [2] : vector<128x32x128xi32> to vector<128x32xi32>
    %reduce_sum3A_611 = arith.constant dense<0> : vector<128xi32>
    %reduce_sum3A_612 = vector.multi_reduction <add>, %reduce_sum3A_610, %reduce_sum3A_611 [1] : vector<128x32xi32> to vector<128xi32>
    %broadcast_in_dim3A_613 = vector.shape_cast %reduce_sum3A_612 : vector<128xi32> to vector<128x1xi32>
    %gt3A_614 = arith.constant 3.100000e+01 : f32
    %gt3A_615 = vector.broadcast %gt3A_614 : f32 to vector<128x1xf32>
    %gt3A_616 = arith.cmpf ogt, %reshape3A_107, %gt3A_615 : vector<128x1xf32>
    %select_n3A_617 = arith.select %gt3A_616, %broadcast_in_dim3A_613, %broadcast_in_dim3A_104 : vector<128x1xi1>, vector<128x1xi32>
    %concatenate3A = tpu.concatenate %select_n3A_121, %select_n3A_137, %select_n3A_153, %select_n3A_169, %select_n3A_185, %select_n3A_201, %select_n3A_217, %select_n3A_233, %select_n3A_249, %select_n3A_265, %select_n3A_281, %select_n3A_297, %select_n3A_313, %select_n3A_329, %select_n3A_345, %select_n3A_361, %select_n3A_377, %select_n3A_393, %select_n3A_409, %select_n3A_425, %select_n3A_441, %select_n3A_457, %select_n3A_473, %select_n3A_489, %select_n3A_505, %select_n3A_521, %select_n3A_537, %select_n3A_553, %select_n3A_569, %select_n3A_585, %select_n3A_601, %select_n3A_617 in 1 : vector<128x1xi32>, vector<128x1xi32>, vector<128x1xi32>, vector<128x1xi32>, vector<128x1xi32>, vector<128x1xi32>, vector<128x1xi32>, vector<128x1xi32>, vector<128x1xi32>, vector<128x1xi32>, vector<128x1xi32>, vector<128x1xi32>, vector<128x1xi32>, vector<128x1xi32>, vector<128x1xi32>, vector<128x1xi32>, vector<128x1xi32>, vector<128x1xi32>, vector<128x1xi32>, vector<128x1xi32>, vector<128x1xi32>, vector<128x1xi32>, vector<128x1xi32>, vector<128x1xi32>, vector<128x1xi32>, vector<128x1xi32>, vector<128x1xi32>, vector<128x1xi32>, vector<128x1xi32>, vector<128x1xi32>, vector<128x1xi32>, vector<128x1xi32> -> vector<128x32xi32>
    %swap3A = arith.constant 0 : index
    %swap3A_618 = arith.constant 0 : index
    %swap3A_619 = arith.constant 0 : index
    %swap3A_620 = vector.load %arg4[%swap3A, %swap3A_618, %swap3A_619] : memref<1x128x32xi32, #tpu.memory_space<vmem>>, vector<1x128x32xi32>
    %swap3A_621 = vector.shape_cast %swap3A_620 : vector<1x128x32xi32> to vector<128x32xi32>
    %swap3A_622 = vector.shape_cast %concatenate3A : vector<128x32xi32> to vector<1x128x32xi32>
    tpu.vector_store %arg4[%swap3A, %swap3A_618, %swap3A_619], %swap3A_622 {strides = array<i32>} : memref<1x128x32xi32, #tpu.memory_space<vmem>>, vector<1x128x32xi32>,
    return
  }
  func.func @transform_0(%arg0: i32, %arg1: i32) -> (i32, i32, i32, i32) {
    %c0_i32 = arith.constant 0 : i32
    %c0_i32_0 = arith.constant 0 : i32
    %c0_i32_1 = arith.constant 0 : i32
    %c0_i32_2 = arith.constant 0 : i32
    return %arg0, %c0_i32, %c0_i32_0, %c0_i32_1 : i32, i32, i32, i32
  }
  func.func @transform_1(%arg0: i32, %arg1: i32) -> (i32, i32, i32) {
    %c0_i32 = arith.constant 0 : i32
    %c0_i32_0 = arith.constant 0 : i32
    return %arg0, %arg1, %c0_i32 : i32, i32, i32
  }
  func.func @transform_2(%arg0: i32, %arg1: i32) -> (i32, i32, i32) {
    %c0_i32 = arith.constant 0 : i32
    %c0_i32_0 = arith.constant 0 : i32
    return %arg0, %arg1, %c0_i32 : i32, i32, i32
  }
}

module attributes {stable_mosaic.version = 14 : i64} {
  func.func @_mlpgat_kernel(%arg0: i32, %arg1: i32, %arg2: memref<1x32x128x64xf32, #tpu.memory_space<vmem>>, %arg3: memref<1x128x64xf32, #tpu.memory_space<vmem>>, %arg4: memref<64x64xf32, #tpu.memory_space<vmem>>, %arg5: memref<1x64xf32, #tpu.memory_space<vmem>>, %arg6: memref<64x64xf32, #tpu.memory_space<vmem>>, %arg7: memref<1x64xf32, #tpu.memory_space<vmem>>, %arg8: memref<64x128xf32, #tpu.memory_space<vmem>>, %arg9: memref<1x128xf32, #tpu.memory_space<vmem>>, %arg10: memref<131x128xf32, #tpu.memory_space<vmem>>, %arg11: memref<1x128x128xf32, #tpu.memory_space<vmem>>) attributes {dimension_semantics = [#tpu.dimension_semantics<parallel>, #tpu.dimension_semantics<parallel>], iteration_bounds = array<i64: 4, 8>, scalar_prefetch = 0 : i64, scratch_operands = 0 : i64, tpu.core_type = #tpu.core_type<tc>, window_params = [{transform_indices = @transform_0, window_bounds = array<i64: 1, 32, 128, 64>}, {transform_indices = @transform_1, window_bounds = array<i64: 1, 128, 64>}, {pipeline_mode = #tpu.pipeline_mode<synchronous>, transform_indices = @transform_2, window_bounds = array<i64: 64, 64>}, {pipeline_mode = #tpu.pipeline_mode<synchronous>, transform_indices = @transform_3, window_bounds = array<i64: 1, 64>}, {pipeline_mode = #tpu.pipeline_mode<synchronous>, transform_indices = @transform_4, window_bounds = array<i64: 64, 64>}, {pipeline_mode = #tpu.pipeline_mode<synchronous>, transform_indices = @transform_5, window_bounds = array<i64: 1, 64>}, {pipeline_mode = #tpu.pipeline_mode<synchronous>, transform_indices = @transform_6, window_bounds = array<i64: 64, 128>}, {pipeline_mode = #tpu.pipeline_mode<synchronous>, transform_indices = @transform_7, window_bounds = array<i64: 1, 128>}, {pipeline_mode = #tpu.pipeline_mode<synchronous>, transform_indices = @transform_8, window_bounds = array<i64: 131, 128>}, {transform_indices = @transform_9, window_bounds = array<i64: 1, 128, 128>}]} {
    %get3A = arith.constant 0 : index
    %get3A_0 = arith.constant 0 : index
    %get3A_1 = arith.constant 0 : index
    %get3A_2 = arith.constant 0 : index
    %get3A_3 = vector.load %arg2[%get3A, %get3A_0, %get3A_1, %get3A_2] : memref<1x32x128x64xf32, #tpu.memory_space<vmem>>, vector<1x32x128x64xf32>
    %get3A_4 = vector.shape_cast %get3A_3 : vector<1x32x128x64xf32> to vector<32x128x64xf32>
    %reshape3A = vector.shape_cast %get3A_4 : vector<32x128x64xf32> to vector<4096x64xf32>
    %get3A_5 = arith.constant 0 : index
    %get3A_6 = arith.constant 0 : index
    %get3A_7 = vector.load %arg4[%get3A_5, %get3A_6] : memref<64x64xf32, #tpu.memory_space<vmem>>, vector<64x64xf32>
    %get3A_8 = arith.constant 0 : index
    %get3A_9 = arith.constant 0 : index
    %get3A_10 = vector.load %arg5[%get3A_8, %get3A_9] : memref<1x64xf32, #tpu.memory_space<vmem>>, vector<1x64xf32>
    %get3A_11 = arith.constant 0 : index
    %get3A_12 = arith.constant 0 : index
    %get3A_13 = vector.load %arg6[%get3A_11, %get3A_12] : memref<64x64xf32, #tpu.memory_space<vmem>>, vector<64x64xf32>
    %get3A_14 = arith.constant 0 : index
    %get3A_15 = arith.constant 0 : index
    %get3A_16 = vector.load %arg7[%get3A_14, %get3A_15] : memref<1x64xf32, #tpu.memory_space<vmem>>, vector<1x64xf32>
    %get3A_17 = arith.constant 0 : index
    %get3A_18 = arith.constant 0 : index
    %get3A_19 = vector.load %arg8[%get3A_17, %get3A_18] : memref<64x128xf32, #tpu.memory_space<vmem>>, vector<64x128xf32>
    %get3A_20 = arith.constant 0 : index
    %get3A_21 = arith.constant 0 : index
    %get3A_22 = vector.load %arg9[%get3A_20, %get3A_21] : memref<1x128xf32, #tpu.memory_space<vmem>>, vector<1x128xf32>
    %convert_element_type3A = arith.truncf %reshape3A : vector<4096x64xf32> to vector<4096x64xbf16>
    %convert_element_type3A_23 = arith.truncf %get3A_7 : vector<64x64xf32> to vector<64x64xbf16>
    %dot_general3A = arith.constant dense<0.000000e+00> : vector<4096x64xf32>
    %dot_general3A_24 = tpu.matmul %convert_element_type3A, %convert_element_type3A_23, %dot_general3A {dimension_numbers = #tpu.dot_dimension_numbers<[1], [0], [0], [1], [0, 0, 1, 1], [], []>, transpose_lhs_hint = false} : vector<4096x64xbf16>, vector<64x64xbf16>, vector<4096x64xf32> -> vector<4096x64xf32>
    %add3A = vector.broadcast %get3A_10 : vector<1x64xf32> to vector<4096x64xf32>
    %add3A_25 = arith.addf %dot_general3A_24, %add3A : vector<4096x64xf32>
    %max3A = arith.constant 0.000000e+00 : f32
    %max3A_26 = vector.broadcast %max3A : f32 to vector<4096x64xf32>
    %max3A_27 = arith.maximumf %add3A_25, %max3A_26 : vector<4096x64xf32>
    %convert_element_type3A_28 = arith.truncf %max3A_27 : vector<4096x64xf32> to vector<4096x64xbf16>
    %convert_element_type3A_29 = arith.truncf %get3A_13 : vector<64x64xf32> to vector<64x64xbf16>
    %dot_general3A_30 = arith.constant dense<0.000000e+00> : vector<4096x64xf32>
    %dot_general3A_31 = tpu.matmul %convert_element_type3A_28, %convert_element_type3A_29, %dot_general3A_30 {dimension_numbers = #tpu.dot_dimension_numbers<[1], [0], [0], [1], [0, 0, 1, 1], [], []>, transpose_lhs_hint = false} : vector<4096x64xbf16>, vector<64x64xbf16>, vector<4096x64xf32> -> vector<4096x64xf32>
    %add3A_32 = vector.broadcast %get3A_16 : vector<1x64xf32> to vector<4096x64xf32>
    %add3A_33 = arith.addf %dot_general3A_31, %add3A_32 : vector<4096x64xf32>
    %max3A_34 = arith.constant 0.000000e+00 : f32
    %max3A_35 = vector.broadcast %max3A_34 : f32 to vector<4096x64xf32>
    %max3A_36 = arith.maximumf %add3A_33, %max3A_35 : vector<4096x64xf32>
    %convert_element_type3A_37 = arith.truncf %max3A_36 : vector<4096x64xf32> to vector<4096x64xbf16>
    %convert_element_type3A_38 = arith.truncf %get3A_19 : vector<64x128xf32> to vector<64x128xbf16>
    %dot_general3A_39 = arith.constant dense<0.000000e+00> : vector<4096x128xf32>
    %dot_general3A_40 = tpu.matmul %convert_element_type3A_37, %convert_element_type3A_38, %dot_general3A_39 {dimension_numbers = #tpu.dot_dimension_numbers<[1], [0], [0], [1], [0, 0, 1, 1], [], []>, transpose_lhs_hint = false} : vector<4096x64xbf16>, vector<64x128xbf16>, vector<4096x128xf32> -> vector<4096x128xf32>
    %add3A_41 = vector.broadcast %get3A_22 : vector<1x128xf32> to vector<4096x128xf32>
    %add3A_42 = arith.addf %dot_general3A_40, %add3A_41 : vector<4096x128xf32>
    %max3A_43 = arith.constant 0.000000e+00 : f32
    %max3A_44 = vector.broadcast %max3A_43 : f32 to vector<4096x128xf32>
    %max3A_45 = arith.maximumf %add3A_42, %max3A_44 : vector<4096x128xf32>
    %get3A_46 = arith.constant 0 : index
    %get3A_47 = arith.constant 0 : index
    %get3A_48 = arith.constant 0 : index
    %get3A_49 = vector.load %arg3[%get3A_46, %get3A_47, %get3A_48] : memref<1x128x64xf32, #tpu.memory_space<vmem>>, vector<1x128x64xf32>
    %get3A_50 = vector.shape_cast %get3A_49 : vector<1x128x64xf32> to vector<128x64xf32>
    %convert_element_type3A_51 = arith.truncf %get3A_50 : vector<128x64xf32> to vector<128x64xbf16>
    %convert_element_type3A_52 = arith.truncf %get3A_7 : vector<64x64xf32> to vector<64x64xbf16>
    %dot_general3A_53 = arith.constant dense<0.000000e+00> : vector<128x64xf32>
    %dot_general3A_54 = tpu.matmul %convert_element_type3A_51, %convert_element_type3A_52, %dot_general3A_53 {dimension_numbers = #tpu.dot_dimension_numbers<[1], [0], [0], [1], [0, 0, 1, 1], [], []>, transpose_lhs_hint = false} : vector<128x64xbf16>, vector<64x64xbf16>, vector<128x64xf32> -> vector<128x64xf32>
    %add3A_55 = vector.broadcast %get3A_10 : vector<1x64xf32> to vector<128x64xf32>
    %add3A_56 = arith.addf %dot_general3A_54, %add3A_55 : vector<128x64xf32>
    %max3A_57 = arith.constant 0.000000e+00 : f32
    %max3A_58 = vector.broadcast %max3A_57 : f32 to vector<128x64xf32>
    %max3A_59 = arith.maximumf %add3A_56, %max3A_58 : vector<128x64xf32>
    %convert_element_type3A_60 = arith.truncf %max3A_59 : vector<128x64xf32> to vector<128x64xbf16>
    %convert_element_type3A_61 = arith.truncf %get3A_13 : vector<64x64xf32> to vector<64x64xbf16>
    %dot_general3A_62 = arith.constant dense<0.000000e+00> : vector<128x64xf32>
    %dot_general3A_63 = tpu.matmul %convert_element_type3A_60, %convert_element_type3A_61, %dot_general3A_62 {dimension_numbers = #tpu.dot_dimension_numbers<[1], [0], [0], [1], [0, 0, 1, 1], [], []>, transpose_lhs_hint = false} : vector<128x64xbf16>, vector<64x64xbf16>, vector<128x64xf32> -> vector<128x64xf32>
    %add3A_64 = vector.broadcast %get3A_16 : vector<1x64xf32> to vector<128x64xf32>
    %add3A_65 = arith.addf %dot_general3A_63, %add3A_64 : vector<128x64xf32>
    %max3A_66 = arith.constant 0.000000e+00 : f32
    %max3A_67 = vector.broadcast %max3A_66 : f32 to vector<128x64xf32>
    %max3A_68 = arith.maximumf %add3A_65, %max3A_67 : vector<128x64xf32>
    %convert_element_type3A_69 = arith.truncf %max3A_68 : vector<128x64xf32> to vector<128x64xbf16>
    %convert_element_type3A_70 = arith.truncf %get3A_19 : vector<64x128xf32> to vector<64x128xbf16>
    %dot_general3A_71 = arith.constant dense<0.000000e+00> : vector<128x128xf32>
    %dot_general3A_72 = tpu.matmul %convert_element_type3A_69, %convert_element_type3A_70, %dot_general3A_71 {dimension_numbers = #tpu.dot_dimension_numbers<[1], [0], [0], [1], [0, 0, 1, 1], [], []>, transpose_lhs_hint = false} : vector<128x64xbf16>, vector<64x128xbf16>, vector<128x128xf32> -> vector<128x128xf32>
    %add3A_73 = vector.broadcast %get3A_22 : vector<1x128xf32> to vector<128x128xf32>
    %add3A_74 = arith.addf %dot_general3A_72, %add3A_73 : vector<128x128xf32>
    %max3A_75 = arith.constant 0.000000e+00 : f32
    %max3A_76 = vector.broadcast %max3A_75 : f32 to vector<128x128xf32>
    %max3A_77 = arith.maximumf %add3A_74, %max3A_76 : vector<128x128xf32>
    %get3A_78 = arith.constant 0 : index
    %get3A_79 = arith.constant 0 : index
    %get3A_80 = vector.load %arg10[%get3A_78, %get3A_79] : memref<131x128xf32, #tpu.memory_space<vmem>>, vector<3x128xf32>
    %get3A_81 = arith.constant 3 : index
    %get3A_82 = arith.constant 0 : index
    %get3A_83 = vector.load %arg10[%get3A_81, %get3A_82] : memref<131x128xf32, #tpu.memory_space<vmem>>, vector<128x128xf32>
    %convert_element_type3A_84 = arith.truncf %max3A_45 : vector<4096x128xf32> to vector<4096x128xbf16>
    %convert_element_type3A_85 = arith.truncf %get3A_83 : vector<128x128xf32> to vector<128x128xbf16>
    %dot_general3A_86 = arith.constant dense<0.000000e+00> : vector<4096x128xf32>
    %dot_general3A_87 = tpu.matmul %convert_element_type3A_84, %convert_element_type3A_85, %dot_general3A_86 {dimension_numbers = #tpu.dot_dimension_numbers<[1], [0], [0], [1], [0, 0, 1, 1], [], []>, transpose_lhs_hint = false} : vector<4096x128xbf16>, vector<128x128xbf16>, vector<4096x128xf32> -> vector<4096x128xf32>
    %convert_element_type3A_88 = arith.truncf %max3A_77 : vector<128x128xf32> to vector<128x128xbf16>
    %convert_element_type3A_89 = arith.truncf %get3A_83 : vector<128x128xf32> to vector<128x128xbf16>
    %dot_general3A_90 = arith.constant dense<0.000000e+00> : vector<128x128xf32>
    %dot_general3A_91 = tpu.matmul %convert_element_type3A_88, %convert_element_type3A_89, %dot_general3A_90 {dimension_numbers = #tpu.dot_dimension_numbers<[1], [0], [0], [1], [0, 0, 1, 1], [], []>, transpose_lhs_hint = false} : vector<128x128xbf16>, vector<128x128xbf16>, vector<128x128xf32> -> vector<128x128xf32>
    %slice3A = vector.extract_strided_slice %reshape3A {offsets = [0, 0], sizes = [4096, 1], strides = [1, 1]} : vector<4096x64xf32> to vector<4096x1xf32>
    %slice3A_92 = vector.extract_strided_slice %get3A_80 {offsets = [0, 0], sizes = [1, 128], strides = [1, 1]} : vector<3x128xf32> to vector<1x128xf32>
    %mul3A = vector.broadcast %slice3A : vector<4096x1xf32> to vector<4096x128xf32>
    %mul3A_93 = vector.broadcast %slice3A_92 : vector<1x128xf32> to vector<4096x128xf32>
    %mul3A_94 = arith.mulf %mul3A, %mul3A_93 : vector<4096x128xf32>
    %slice3A_95 = vector.extract_strided_slice %reshape3A {offsets = [0, 1], sizes = [4096, 1], strides = [1, 1]} : vector<4096x64xf32> to vector<4096x1xf32>
    %slice3A_96 = vector.extract_strided_slice %get3A_80 {offsets = [1, 0], sizes = [1, 128], strides = [1, 1]} : vector<3x128xf32> to vector<1x128xf32>
    %mul3A_97 = vector.broadcast %slice3A_95 : vector<4096x1xf32> to vector<4096x128xf32>
    %mul3A_98 = vector.broadcast %slice3A_96 : vector<1x128xf32> to vector<4096x128xf32>
    %mul3A_99 = arith.mulf %mul3A_97, %mul3A_98 : vector<4096x128xf32>
    %add3A_100 = arith.addf %mul3A_94, %mul3A_99 : vector<4096x128xf32>
    %slice3A_101 = vector.extract_strided_slice %reshape3A {offsets = [0, 2], sizes = [4096, 1], strides = [1, 1]} : vector<4096x64xf32> to vector<4096x1xf32>
    %slice3A_102 = vector.extract_strided_slice %get3A_80 {offsets = [2, 0], sizes = [1, 128], strides = [1, 1]} : vector<3x128xf32> to vector<1x128xf32>
    %mul3A_103 = vector.broadcast %slice3A_101 : vector<4096x1xf32> to vector<4096x128xf32>
    %mul3A_104 = vector.broadcast %slice3A_102 : vector<1x128xf32> to vector<4096x128xf32>
    %mul3A_105 = arith.mulf %mul3A_103, %mul3A_104 : vector<4096x128xf32>
    %add3A_106 = arith.addf %add3A_100, %mul3A_105 : vector<4096x128xf32>
    %neg3A = arith.constant 0.000000e+00 : f32
    %neg3A_107 = vector.broadcast %neg3A : f32 to vector<4096x128xf32>
    %neg3A_108 = arith.subf %neg3A_107, %add3A_106 : vector<4096x128xf32>
    %broadcast_in_dim3A = arith.constant 0xFF800000 : f32
    %broadcast_in_dim3A_109 = vector.broadcast %broadcast_in_dim3A : f32 to vector<128x128xf32>
    %slice3A_110 = vector.extract_strided_slice %neg3A_108 {offsets = [0, 0], sizes = [128, 128], strides = [1, 1]} : vector<4096x128xf32> to vector<128x128xf32>
    %add3A_111 = arith.addf %slice3A_110, %dot_general3A_91 : vector<128x128xf32>
    %slice3A_112 = vector.extract_strided_slice %dot_general3A_87 {offsets = [0, 0], sizes = [128, 128], strides = [1, 1]} : vector<4096x128xf32> to vector<128x128xf32>
    %sub3A = arith.subf %add3A_111, %slice3A_112 : vector<128x128xf32>
    %ge3A = arith.constant 0.000000e+00 : f32
    %ge3A_113 = vector.broadcast %ge3A : f32 to vector<128x128xf32>
    %ge3A_114 = arith.cmpf oge, %sub3A, %ge3A_113 : vector<128x128xf32>
    %mul3A_115 = arith.constant 2.000000e-01 : f32
    %mul3A_116 = vector.broadcast %mul3A_115 : f32 to vector<128x128xf32>
    %mul3A_117 = arith.mulf %mul3A_116, %sub3A : vector<128x128xf32>
    %select_n3A = arith.select %ge3A_114, %sub3A, %mul3A_117 : vector<128x128xi1>, vector<128x128xf32>
    %max3A_118 = arith.maximumf %broadcast_in_dim3A_109, %select_n3A : vector<128x128xf32>
    %slice3A_119 = vector.extract_strided_slice %neg3A_108 {offsets = [128, 0], sizes = [128, 128], strides = [1, 1]} : vector<4096x128xf32> to vector<128x128xf32>
    %add3A_120 = arith.addf %slice3A_119, %dot_general3A_91 : vector<128x128xf32>
    %slice3A_121 = vector.extract_strided_slice %dot_general3A_87 {offsets = [128, 0], sizes = [128, 128], strides = [1, 1]} : vector<4096x128xf32> to vector<128x128xf32>
    %sub3A_122 = arith.subf %add3A_120, %slice3A_121 : vector<128x128xf32>
    %ge3A_123 = arith.constant 0.000000e+00 : f32
    %ge3A_124 = vector.broadcast %ge3A_123 : f32 to vector<128x128xf32>
    %ge3A_125 = arith.cmpf oge, %sub3A_122, %ge3A_124 : vector<128x128xf32>
    %mul3A_126 = arith.constant 2.000000e-01 : f32
    %mul3A_127 = vector.broadcast %mul3A_126 : f32 to vector<128x128xf32>
    %mul3A_128 = arith.mulf %mul3A_127, %sub3A_122 : vector<128x128xf32>
    %select_n3A_129 = arith.select %ge3A_125, %sub3A_122, %mul3A_128 : vector<128x128xi1>, vector<128x128xf32>
    %max3A_130 = arith.maximumf %max3A_118, %select_n3A_129 : vector<128x128xf32>
    %slice3A_131 = vector.extract_strided_slice %neg3A_108 {offsets = [256, 0], sizes = [128, 128], strides = [1, 1]} : vector<4096x128xf32> to vector<128x128xf32>
    %add3A_132 = arith.addf %slice3A_131, %dot_general3A_91 : vector<128x128xf32>
    %slice3A_133 = vector.extract_strided_slice %dot_general3A_87 {offsets = [256, 0], sizes = [128, 128], strides = [1, 1]} : vector<4096x128xf32> to vector<128x128xf32>
    %sub3A_134 = arith.subf %add3A_132, %slice3A_133 : vector<128x128xf32>
    %ge3A_135 = arith.constant 0.000000e+00 : f32
    %ge3A_136 = vector.broadcast %ge3A_135 : f32 to vector<128x128xf32>
    %ge3A_137 = arith.cmpf oge, %sub3A_134, %ge3A_136 : vector<128x128xf32>
    %mul3A_138 = arith.constant 2.000000e-01 : f32
    %mul3A_139 = vector.broadcast %mul3A_138 : f32 to vector<128x128xf32>
    %mul3A_140 = arith.mulf %mul3A_139, %sub3A_134 : vector<128x128xf32>
    %select_n3A_141 = arith.select %ge3A_137, %sub3A_134, %mul3A_140 : vector<128x128xi1>, vector<128x128xf32>
    %max3A_142 = arith.maximumf %max3A_130, %select_n3A_141 : vector<128x128xf32>
    %slice3A_143 = vector.extract_strided_slice %neg3A_108 {offsets = [384, 0], sizes = [128, 128], strides = [1, 1]} : vector<4096x128xf32> to vector<128x128xf32>
    %add3A_144 = arith.addf %slice3A_143, %dot_general3A_91 : vector<128x128xf32>
    %slice3A_145 = vector.extract_strided_slice %dot_general3A_87 {offsets = [384, 0], sizes = [128, 128], strides = [1, 1]} : vector<4096x128xf32> to vector<128x128xf32>
    %sub3A_146 = arith.subf %add3A_144, %slice3A_145 : vector<128x128xf32>
    %ge3A_147 = arith.constant 0.000000e+00 : f32
    %ge3A_148 = vector.broadcast %ge3A_147 : f32 to vector<128x128xf32>
    %ge3A_149 = arith.cmpf oge, %sub3A_146, %ge3A_148 : vector<128x128xf32>
    %mul3A_150 = arith.constant 2.000000e-01 : f32
    %mul3A_151 = vector.broadcast %mul3A_150 : f32 to vector<128x128xf32>
    %mul3A_152 = arith.mulf %mul3A_151, %sub3A_146 : vector<128x128xf32>
    %select_n3A_153 = arith.select %ge3A_149, %sub3A_146, %mul3A_152 : vector<128x128xi1>, vector<128x128xf32>
    %max3A_154 = arith.maximumf %max3A_142, %select_n3A_153 : vector<128x128xf32>
    %slice3A_155 = vector.extract_strided_slice %neg3A_108 {offsets = [512, 0], sizes = [128, 128], strides = [1, 1]} : vector<4096x128xf32> to vector<128x128xf32>
    %add3A_156 = arith.addf %slice3A_155, %dot_general3A_91 : vector<128x128xf32>
    %slice3A_157 = vector.extract_strided_slice %dot_general3A_87 {offsets = [512, 0], sizes = [128, 128], strides = [1, 1]} : vector<4096x128xf32> to vector<128x128xf32>
    %sub3A_158 = arith.subf %add3A_156, %slice3A_157 : vector<128x128xf32>
    %ge3A_159 = arith.constant 0.000000e+00 : f32
    %ge3A_160 = vector.broadcast %ge3A_159 : f32 to vector<128x128xf32>
    %ge3A_161 = arith.cmpf oge, %sub3A_158, %ge3A_160 : vector<128x128xf32>
    %mul3A_162 = arith.constant 2.000000e-01 : f32
    %mul3A_163 = vector.broadcast %mul3A_162 : f32 to vector<128x128xf32>
    %mul3A_164 = arith.mulf %mul3A_163, %sub3A_158 : vector<128x128xf32>
    %select_n3A_165 = arith.select %ge3A_161, %sub3A_158, %mul3A_164 : vector<128x128xi1>, vector<128x128xf32>
    %max3A_166 = arith.maximumf %max3A_154, %select_n3A_165 : vector<128x128xf32>
    %slice3A_167 = vector.extract_strided_slice %neg3A_108 {offsets = [640, 0], sizes = [128, 128], strides = [1, 1]} : vector<4096x128xf32> to vector<128x128xf32>
    %add3A_168 = arith.addf %slice3A_167, %dot_general3A_91 : vector<128x128xf32>
    %slice3A_169 = vector.extract_strided_slice %dot_general3A_87 {offsets = [640, 0], sizes = [128, 128], strides = [1, 1]} : vector<4096x128xf32> to vector<128x128xf32>
    %sub3A_170 = arith.subf %add3A_168, %slice3A_169 : vector<128x128xf32>
    %ge3A_171 = arith.constant 0.000000e+00 : f32
    %ge3A_172 = vector.broadcast %ge3A_171 : f32 to vector<128x128xf32>
    %ge3A_173 = arith.cmpf oge, %sub3A_170, %ge3A_172 : vector<128x128xf32>
    %mul3A_174 = arith.constant 2.000000e-01 : f32
    %mul3A_175 = vector.broadcast %mul3A_174 : f32 to vector<128x128xf32>
    %mul3A_176 = arith.mulf %mul3A_175, %sub3A_170 : vector<128x128xf32>
    %select_n3A_177 = arith.select %ge3A_173, %sub3A_170, %mul3A_176 : vector<128x128xi1>, vector<128x128xf32>
    %max3A_178 = arith.maximumf %max3A_166, %select_n3A_177 : vector<128x128xf32>
    %slice3A_179 = vector.extract_strided_slice %neg3A_108 {offsets = [768, 0], sizes = [128, 128], strides = [1, 1]} : vector<4096x128xf32> to vector<128x128xf32>
    %add3A_180 = arith.addf %slice3A_179, %dot_general3A_91 : vector<128x128xf32>
    %slice3A_181 = vector.extract_strided_slice %dot_general3A_87 {offsets = [768, 0], sizes = [128, 128], strides = [1, 1]} : vector<4096x128xf32> to vector<128x128xf32>
    %sub3A_182 = arith.subf %add3A_180, %slice3A_181 : vector<128x128xf32>
    %ge3A_183 = arith.constant 0.000000e+00 : f32
    %ge3A_184 = vector.broadcast %ge3A_183 : f32 to vector<128x128xf32>
    %ge3A_185 = arith.cmpf oge, %sub3A_182, %ge3A_184 : vector<128x128xf32>
    %mul3A_186 = arith.constant 2.000000e-01 : f32
    %mul3A_187 = vector.broadcast %mul3A_186 : f32 to vector<128x128xf32>
    %mul3A_188 = arith.mulf %mul3A_187, %sub3A_182 : vector<128x128xf32>
    %select_n3A_189 = arith.select %ge3A_185, %sub3A_182, %mul3A_188 : vector<128x128xi1>, vector<128x128xf32>
    %max3A_190 = arith.maximumf %max3A_178, %select_n3A_189 : vector<128x128xf32>
    %slice3A_191 = vector.extract_strided_slice %neg3A_108 {offsets = [896, 0], sizes = [128, 128], strides = [1, 1]} : vector<4096x128xf32> to vector<128x128xf32>
    %add3A_192 = arith.addf %slice3A_191, %dot_general3A_91 : vector<128x128xf32>
    %slice3A_193 = vector.extract_strided_slice %dot_general3A_87 {offsets = [896, 0], sizes = [128, 128], strides = [1, 1]} : vector<4096x128xf32> to vector<128x128xf32>
    %sub3A_194 = arith.subf %add3A_192, %slice3A_193 : vector<128x128xf32>
    %ge3A_195 = arith.constant 0.000000e+00 : f32
    %ge3A_196 = vector.broadcast %ge3A_195 : f32 to vector<128x128xf32>
    %ge3A_197 = arith.cmpf oge, %sub3A_194, %ge3A_196 : vector<128x128xf32>
    %mul3A_198 = arith.constant 2.000000e-01 : f32
    %mul3A_199 = vector.broadcast %mul3A_198 : f32 to vector<128x128xf32>
    %mul3A_200 = arith.mulf %mul3A_199, %sub3A_194 : vector<128x128xf32>
    %select_n3A_201 = arith.select %ge3A_197, %sub3A_194, %mul3A_200 : vector<128x128xi1>, vector<128x128xf32>
    %max3A_202 = arith.maximumf %max3A_190, %select_n3A_201 : vector<128x128xf32>
    %slice3A_203 = vector.extract_strided_slice %neg3A_108 {offsets = [1024, 0], sizes = [128, 128], strides = [1, 1]} : vector<4096x128xf32> to vector<128x128xf32>
    %add3A_204 = arith.addf %slice3A_203, %dot_general3A_91 : vector<128x128xf32>
    %slice3A_205 = vector.extract_strided_slice %dot_general3A_87 {offsets = [1024, 0], sizes = [128, 128], strides = [1, 1]} : vector<4096x128xf32> to vector<128x128xf32>
    %sub3A_206 = arith.subf %add3A_204, %slice3A_205 : vector<128x128xf32>
    %ge3A_207 = arith.constant 0.000000e+00 : f32
    %ge3A_208 = vector.broadcast %ge3A_207 : f32 to vector<128x128xf32>
    %ge3A_209 = arith.cmpf oge, %sub3A_206, %ge3A_208 : vector<128x128xf32>
    %mul3A_210 = arith.constant 2.000000e-01 : f32
    %mul3A_211 = vector.broadcast %mul3A_210 : f32 to vector<128x128xf32>
    %mul3A_212 = arith.mulf %mul3A_211, %sub3A_206 : vector<128x128xf32>
    %select_n3A_213 = arith.select %ge3A_209, %sub3A_206, %mul3A_212 : vector<128x128xi1>, vector<128x128xf32>
    %max3A_214 = arith.maximumf %max3A_202, %select_n3A_213 : vector<128x128xf32>
    %slice3A_215 = vector.extract_strided_slice %neg3A_108 {offsets = [1152, 0], sizes = [128, 128], strides = [1, 1]} : vector<4096x128xf32> to vector<128x128xf32>
    %add3A_216 = arith.addf %slice3A_215, %dot_general3A_91 : vector<128x128xf32>
    %slice3A_217 = vector.extract_strided_slice %dot_general3A_87 {offsets = [1152, 0], sizes = [128, 128], strides = [1, 1]} : vector<4096x128xf32> to vector<128x128xf32>
    %sub3A_218 = arith.subf %add3A_216, %slice3A_217 : vector<128x128xf32>
    %ge3A_219 = arith.constant 0.000000e+00 : f32
    %ge3A_220 = vector.broadcast %ge3A_219 : f32 to vector<128x128xf32>
    %ge3A_221 = arith.cmpf oge, %sub3A_218, %ge3A_220 : vector<128x128xf32>
    %mul3A_222 = arith.constant 2.000000e-01 : f32
    %mul3A_223 = vector.broadcast %mul3A_222 : f32 to vector<128x128xf32>
    %mul3A_224 = arith.mulf %mul3A_223, %sub3A_218 : vector<128x128xf32>
    %select_n3A_225 = arith.select %ge3A_221, %sub3A_218, %mul3A_224 : vector<128x128xi1>, vector<128x128xf32>
    %max3A_226 = arith.maximumf %max3A_214, %select_n3A_225 : vector<128x128xf32>
    %slice3A_227 = vector.extract_strided_slice %neg3A_108 {offsets = [1280, 0], sizes = [128, 128], strides = [1, 1]} : vector<4096x128xf32> to vector<128x128xf32>
    %add3A_228 = arith.addf %slice3A_227, %dot_general3A_91 : vector<128x128xf32>
    %slice3A_229 = vector.extract_strided_slice %dot_general3A_87 {offsets = [1280, 0], sizes = [128, 128], strides = [1, 1]} : vector<4096x128xf32> to vector<128x128xf32>
    %sub3A_230 = arith.subf %add3A_228, %slice3A_229 : vector<128x128xf32>
    %ge3A_231 = arith.constant 0.000000e+00 : f32
    %ge3A_232 = vector.broadcast %ge3A_231 : f32 to vector<128x128xf32>
    %ge3A_233 = arith.cmpf oge, %sub3A_230, %ge3A_232 : vector<128x128xf32>
    %mul3A_234 = arith.constant 2.000000e-01 : f32
    %mul3A_235 = vector.broadcast %mul3A_234 : f32 to vector<128x128xf32>
    %mul3A_236 = arith.mulf %mul3A_235, %sub3A_230 : vector<128x128xf32>
    %select_n3A_237 = arith.select %ge3A_233, %sub3A_230, %mul3A_236 : vector<128x128xi1>, vector<128x128xf32>
    %max3A_238 = arith.maximumf %max3A_226, %select_n3A_237 : vector<128x128xf32>
    %slice3A_239 = vector.extract_strided_slice %neg3A_108 {offsets = [1408, 0], sizes = [128, 128], strides = [1, 1]} : vector<4096x128xf32> to vector<128x128xf32>
    %add3A_240 = arith.addf %slice3A_239, %dot_general3A_91 : vector<128x128xf32>
    %slice3A_241 = vector.extract_strided_slice %dot_general3A_87 {offsets = [1408, 0], sizes = [128, 128], strides = [1, 1]} : vector<4096x128xf32> to vector<128x128xf32>
    %sub3A_242 = arith.subf %add3A_240, %slice3A_241 : vector<128x128xf32>
    %ge3A_243 = arith.constant 0.000000e+00 : f32
    %ge3A_244 = vector.broadcast %ge3A_243 : f32 to vector<128x128xf32>
    %ge3A_245 = arith.cmpf oge, %sub3A_242, %ge3A_244 : vector<128x128xf32>
    %mul3A_246 = arith.constant 2.000000e-01 : f32
    %mul3A_247 = vector.broadcast %mul3A_246 : f32 to vector<128x128xf32>
    %mul3A_248 = arith.mulf %mul3A_247, %sub3A_242 : vector<128x128xf32>
    %select_n3A_249 = arith.select %ge3A_245, %sub3A_242, %mul3A_248 : vector<128x128xi1>, vector<128x128xf32>
    %max3A_250 = arith.maximumf %max3A_238, %select_n3A_249 : vector<128x128xf32>
    %slice3A_251 = vector.extract_strided_slice %neg3A_108 {offsets = [1536, 0], sizes = [128, 128], strides = [1, 1]} : vector<4096x128xf32> to vector<128x128xf32>
    %add3A_252 = arith.addf %slice3A_251, %dot_general3A_91 : vector<128x128xf32>
    %slice3A_253 = vector.extract_strided_slice %dot_general3A_87 {offsets = [1536, 0], sizes = [128, 128], strides = [1, 1]} : vector<4096x128xf32> to vector<128x128xf32>
    %sub3A_254 = arith.subf %add3A_252, %slice3A_253 : vector<128x128xf32>
    %ge3A_255 = arith.constant 0.000000e+00 : f32
    %ge3A_256 = vector.broadcast %ge3A_255 : f32 to vector<128x128xf32>
    %ge3A_257 = arith.cmpf oge, %sub3A_254, %ge3A_256 : vector<128x128xf32>
    %mul3A_258 = arith.constant 2.000000e-01 : f32
    %mul3A_259 = vector.broadcast %mul3A_258 : f32 to vector<128x128xf32>
    %mul3A_260 = arith.mulf %mul3A_259, %sub3A_254 : vector<128x128xf32>
    %select_n3A_261 = arith.select %ge3A_257, %sub3A_254, %mul3A_260 : vector<128x128xi1>, vector<128x128xf32>
    %max3A_262 = arith.maximumf %max3A_250, %select_n3A_261 : vector<128x128xf32>
    %slice3A_263 = vector.extract_strided_slice %neg3A_108 {offsets = [1664, 0], sizes = [128, 128], strides = [1, 1]} : vector<4096x128xf32> to vector<128x128xf32>
    %add3A_264 = arith.addf %slice3A_263, %dot_general3A_91 : vector<128x128xf32>
    %slice3A_265 = vector.extract_strided_slice %dot_general3A_87 {offsets = [1664, 0], sizes = [128, 128], strides = [1, 1]} : vector<4096x128xf32> to vector<128x128xf32>
    %sub3A_266 = arith.subf %add3A_264, %slice3A_265 : vector<128x128xf32>
    %ge3A_267 = arith.constant 0.000000e+00 : f32
    %ge3A_268 = vector.broadcast %ge3A_267 : f32 to vector<128x128xf32>
    %ge3A_269 = arith.cmpf oge, %sub3A_266, %ge3A_268 : vector<128x128xf32>
    %mul3A_270 = arith.constant 2.000000e-01 : f32
    %mul3A_271 = vector.broadcast %mul3A_270 : f32 to vector<128x128xf32>
    %mul3A_272 = arith.mulf %mul3A_271, %sub3A_266 : vector<128x128xf32>
    %select_n3A_273 = arith.select %ge3A_269, %sub3A_266, %mul3A_272 : vector<128x128xi1>, vector<128x128xf32>
    %max3A_274 = arith.maximumf %max3A_262, %select_n3A_273 : vector<128x128xf32>
    %slice3A_275 = vector.extract_strided_slice %neg3A_108 {offsets = [1792, 0], sizes = [128, 128], strides = [1, 1]} : vector<4096x128xf32> to vector<128x128xf32>
    %add3A_276 = arith.addf %slice3A_275, %dot_general3A_91 : vector<128x128xf32>
    %slice3A_277 = vector.extract_strided_slice %dot_general3A_87 {offsets = [1792, 0], sizes = [128, 128], strides = [1, 1]} : vector<4096x128xf32> to vector<128x128xf32>
    %sub3A_278 = arith.subf %add3A_276, %slice3A_277 : vector<128x128xf32>
    %ge3A_279 = arith.constant 0.000000e+00 : f32
    %ge3A_280 = vector.broadcast %ge3A_279 : f32 to vector<128x128xf32>
    %ge3A_281 = arith.cmpf oge, %sub3A_278, %ge3A_280 : vector<128x128xf32>
    %mul3A_282 = arith.constant 2.000000e-01 : f32
    %mul3A_283 = vector.broadcast %mul3A_282 : f32 to vector<128x128xf32>
    %mul3A_284 = arith.mulf %mul3A_283, %sub3A_278 : vector<128x128xf32>
    %select_n3A_285 = arith.select %ge3A_281, %sub3A_278, %mul3A_284 : vector<128x128xi1>, vector<128x128xf32>
    %max3A_286 = arith.maximumf %max3A_274, %select_n3A_285 : vector<128x128xf32>
    %slice3A_287 = vector.extract_strided_slice %neg3A_108 {offsets = [1920, 0], sizes = [128, 128], strides = [1, 1]} : vector<4096x128xf32> to vector<128x128xf32>
    %add3A_288 = arith.addf %slice3A_287, %dot_general3A_91 : vector<128x128xf32>
    %slice3A_289 = vector.extract_strided_slice %dot_general3A_87 {offsets = [1920, 0], sizes = [128, 128], strides = [1, 1]} : vector<4096x128xf32> to vector<128x128xf32>
    %sub3A_290 = arith.subf %add3A_288, %slice3A_289 : vector<128x128xf32>
    %ge3A_291 = arith.constant 0.000000e+00 : f32
    %ge3A_292 = vector.broadcast %ge3A_291 : f32 to vector<128x128xf32>
    %ge3A_293 = arith.cmpf oge, %sub3A_290, %ge3A_292 : vector<128x128xf32>
    %mul3A_294 = arith.constant 2.000000e-01 : f32
    %mul3A_295 = vector.broadcast %mul3A_294 : f32 to vector<128x128xf32>
    %mul3A_296 = arith.mulf %mul3A_295, %sub3A_290 : vector<128x128xf32>
    %select_n3A_297 = arith.select %ge3A_293, %sub3A_290, %mul3A_296 : vector<128x128xi1>, vector<128x128xf32>
    %max3A_298 = arith.maximumf %max3A_286, %select_n3A_297 : vector<128x128xf32>
    %slice3A_299 = vector.extract_strided_slice %neg3A_108 {offsets = [2048, 0], sizes = [128, 128], strides = [1, 1]} : vector<4096x128xf32> to vector<128x128xf32>
    %add3A_300 = arith.addf %slice3A_299, %dot_general3A_91 : vector<128x128xf32>
    %slice3A_301 = vector.extract_strided_slice %dot_general3A_87 {offsets = [2048, 0], sizes = [128, 128], strides = [1, 1]} : vector<4096x128xf32> to vector<128x128xf32>
    %sub3A_302 = arith.subf %add3A_300, %slice3A_301 : vector<128x128xf32>
    %ge3A_303 = arith.constant 0.000000e+00 : f32
    %ge3A_304 = vector.broadcast %ge3A_303 : f32 to vector<128x128xf32>
    %ge3A_305 = arith.cmpf oge, %sub3A_302, %ge3A_304 : vector<128x128xf32>
    %mul3A_306 = arith.constant 2.000000e-01 : f32
    %mul3A_307 = vector.broadcast %mul3A_306 : f32 to vector<128x128xf32>
    %mul3A_308 = arith.mulf %mul3A_307, %sub3A_302 : vector<128x128xf32>
    %select_n3A_309 = arith.select %ge3A_305, %sub3A_302, %mul3A_308 : vector<128x128xi1>, vector<128x128xf32>
    %max3A_310 = arith.maximumf %max3A_298, %select_n3A_309 : vector<128x128xf32>
    %slice3A_311 = vector.extract_strided_slice %neg3A_108 {offsets = [2176, 0], sizes = [128, 128], strides = [1, 1]} : vector<4096x128xf32> to vector<128x128xf32>
    %add3A_312 = arith.addf %slice3A_311, %dot_general3A_91 : vector<128x128xf32>
    %slice3A_313 = vector.extract_strided_slice %dot_general3A_87 {offsets = [2176, 0], sizes = [128, 128], strides = [1, 1]} : vector<4096x128xf32> to vector<128x128xf32>
    %sub3A_314 = arith.subf %add3A_312, %slice3A_313 : vector<128x128xf32>
    %ge3A_315 = arith.constant 0.000000e+00 : f32
    %ge3A_316 = vector.broadcast %ge3A_315 : f32 to vector<128x128xf32>
    %ge3A_317 = arith.cmpf oge, %sub3A_314, %ge3A_316 : vector<128x128xf32>
    %mul3A_318 = arith.constant 2.000000e-01 : f32
    %mul3A_319 = vector.broadcast %mul3A_318 : f32 to vector<128x128xf32>
    %mul3A_320 = arith.mulf %mul3A_319, %sub3A_314 : vector<128x128xf32>
    %select_n3A_321 = arith.select %ge3A_317, %sub3A_314, %mul3A_320 : vector<128x128xi1>, vector<128x128xf32>
    %max3A_322 = arith.maximumf %max3A_310, %select_n3A_321 : vector<128x128xf32>
    %slice3A_323 = vector.extract_strided_slice %neg3A_108 {offsets = [2304, 0], sizes = [128, 128], strides = [1, 1]} : vector<4096x128xf32> to vector<128x128xf32>
    %add3A_324 = arith.addf %slice3A_323, %dot_general3A_91 : vector<128x128xf32>
    %slice3A_325 = vector.extract_strided_slice %dot_general3A_87 {offsets = [2304, 0], sizes = [128, 128], strides = [1, 1]} : vector<4096x128xf32> to vector<128x128xf32>
    %sub3A_326 = arith.subf %add3A_324, %slice3A_325 : vector<128x128xf32>
    %ge3A_327 = arith.constant 0.000000e+00 : f32
    %ge3A_328 = vector.broadcast %ge3A_327 : f32 to vector<128x128xf32>
    %ge3A_329 = arith.cmpf oge, %sub3A_326, %ge3A_328 : vector<128x128xf32>
    %mul3A_330 = arith.constant 2.000000e-01 : f32
    %mul3A_331 = vector.broadcast %mul3A_330 : f32 to vector<128x128xf32>
    %mul3A_332 = arith.mulf %mul3A_331, %sub3A_326 : vector<128x128xf32>
    %select_n3A_333 = arith.select %ge3A_329, %sub3A_326, %mul3A_332 : vector<128x128xi1>, vector<128x128xf32>
    %max3A_334 = arith.maximumf %max3A_322, %select_n3A_333 : vector<128x128xf32>
    %slice3A_335 = vector.extract_strided_slice %neg3A_108 {offsets = [2432, 0], sizes = [128, 128], strides = [1, 1]} : vector<4096x128xf32> to vector<128x128xf32>
    %add3A_336 = arith.addf %slice3A_335, %dot_general3A_91 : vector<128x128xf32>
    %slice3A_337 = vector.extract_strided_slice %dot_general3A_87 {offsets = [2432, 0], sizes = [128, 128], strides = [1, 1]} : vector<4096x128xf32> to vector<128x128xf32>
    %sub3A_338 = arith.subf %add3A_336, %slice3A_337 : vector<128x128xf32>
    %ge3A_339 = arith.constant 0.000000e+00 : f32
    %ge3A_340 = vector.broadcast %ge3A_339 : f32 to vector<128x128xf32>
    %ge3A_341 = arith.cmpf oge, %sub3A_338, %ge3A_340 : vector<128x128xf32>
    %mul3A_342 = arith.constant 2.000000e-01 : f32
    %mul3A_343 = vector.broadcast %mul3A_342 : f32 to vector<128x128xf32>
    %mul3A_344 = arith.mulf %mul3A_343, %sub3A_338 : vector<128x128xf32>
    %select_n3A_345 = arith.select %ge3A_341, %sub3A_338, %mul3A_344 : vector<128x128xi1>, vector<128x128xf32>
    %max3A_346 = arith.maximumf %max3A_334, %select_n3A_345 : vector<128x128xf32>
    %slice3A_347 = vector.extract_strided_slice %neg3A_108 {offsets = [2560, 0], sizes = [128, 128], strides = [1, 1]} : vector<4096x128xf32> to vector<128x128xf32>
    %add3A_348 = arith.addf %slice3A_347, %dot_general3A_91 : vector<128x128xf32>
    %slice3A_349 = vector.extract_strided_slice %dot_general3A_87 {offsets = [2560, 0], sizes = [128, 128], strides = [1, 1]} : vector<4096x128xf32> to vector<128x128xf32>
    %sub3A_350 = arith.subf %add3A_348, %slice3A_349 : vector<128x128xf32>
    %ge3A_351 = arith.constant 0.000000e+00 : f32
    %ge3A_352 = vector.broadcast %ge3A_351 : f32 to vector<128x128xf32>
    %ge3A_353 = arith.cmpf oge, %sub3A_350, %ge3A_352 : vector<128x128xf32>
    %mul3A_354 = arith.constant 2.000000e-01 : f32
    %mul3A_355 = vector.broadcast %mul3A_354 : f32 to vector<128x128xf32>
    %mul3A_356 = arith.mulf %mul3A_355, %sub3A_350 : vector<128x128xf32>
    %select_n3A_357 = arith.select %ge3A_353, %sub3A_350, %mul3A_356 : vector<128x128xi1>, vector<128x128xf32>
    %max3A_358 = arith.maximumf %max3A_346, %select_n3A_357 : vector<128x128xf32>
    %slice3A_359 = vector.extract_strided_slice %neg3A_108 {offsets = [2688, 0], sizes = [128, 128], strides = [1, 1]} : vector<4096x128xf32> to vector<128x128xf32>
    %add3A_360 = arith.addf %slice3A_359, %dot_general3A_91 : vector<128x128xf32>
    %slice3A_361 = vector.extract_strided_slice %dot_general3A_87 {offsets = [2688, 0], sizes = [128, 128], strides = [1, 1]} : vector<4096x128xf32> to vector<128x128xf32>
    %sub3A_362 = arith.subf %add3A_360, %slice3A_361 : vector<128x128xf32>
    %ge3A_363 = arith.constant 0.000000e+00 : f32
    %ge3A_364 = vector.broadcast %ge3A_363 : f32 to vector<128x128xf32>
    %ge3A_365 = arith.cmpf oge, %sub3A_362, %ge3A_364 : vector<128x128xf32>
    %mul3A_366 = arith.constant 2.000000e-01 : f32
    %mul3A_367 = vector.broadcast %mul3A_366 : f32 to vector<128x128xf32>
    %mul3A_368 = arith.mulf %mul3A_367, %sub3A_362 : vector<128x128xf32>
    %select_n3A_369 = arith.select %ge3A_365, %sub3A_362, %mul3A_368 : vector<128x128xi1>, vector<128x128xf32>
    %max3A_370 = arith.maximumf %max3A_358, %select_n3A_369 : vector<128x128xf32>
    %slice3A_371 = vector.extract_strided_slice %neg3A_108 {offsets = [2816, 0], sizes = [128, 128], strides = [1, 1]} : vector<4096x128xf32> to vector<128x128xf32>
    %add3A_372 = arith.addf %slice3A_371, %dot_general3A_91 : vector<128x128xf32>
    %slice3A_373 = vector.extract_strided_slice %dot_general3A_87 {offsets = [2816, 0], sizes = [128, 128], strides = [1, 1]} : vector<4096x128xf32> to vector<128x128xf32>
    %sub3A_374 = arith.subf %add3A_372, %slice3A_373 : vector<128x128xf32>
    %ge3A_375 = arith.constant 0.000000e+00 : f32
    %ge3A_376 = vector.broadcast %ge3A_375 : f32 to vector<128x128xf32>
    %ge3A_377 = arith.cmpf oge, %sub3A_374, %ge3A_376 : vector<128x128xf32>
    %mul3A_378 = arith.constant 2.000000e-01 : f32
    %mul3A_379 = vector.broadcast %mul3A_378 : f32 to vector<128x128xf32>
    %mul3A_380 = arith.mulf %mul3A_379, %sub3A_374 : vector<128x128xf32>
    %select_n3A_381 = arith.select %ge3A_377, %sub3A_374, %mul3A_380 : vector<128x128xi1>, vector<128x128xf32>
    %max3A_382 = arith.maximumf %max3A_370, %select_n3A_381 : vector<128x128xf32>
    %slice3A_383 = vector.extract_strided_slice %neg3A_108 {offsets = [2944, 0], sizes = [128, 128], strides = [1, 1]} : vector<4096x128xf32> to vector<128x128xf32>
    %add3A_384 = arith.addf %slice3A_383, %dot_general3A_91 : vector<128x128xf32>
    %slice3A_385 = vector.extract_strided_slice %dot_general3A_87 {offsets = [2944, 0], sizes = [128, 128], strides = [1, 1]} : vector<4096x128xf32> to vector<128x128xf32>
    %sub3A_386 = arith.subf %add3A_384, %slice3A_385 : vector<128x128xf32>
    %ge3A_387 = arith.constant 0.000000e+00 : f32
    %ge3A_388 = vector.broadcast %ge3A_387 : f32 to vector<128x128xf32>
    %ge3A_389 = arith.cmpf oge, %sub3A_386, %ge3A_388 : vector<128x128xf32>
    %mul3A_390 = arith.constant 2.000000e-01 : f32
    %mul3A_391 = vector.broadcast %mul3A_390 : f32 to vector<128x128xf32>
    %mul3A_392 = arith.mulf %mul3A_391, %sub3A_386 : vector<128x128xf32>
    %select_n3A_393 = arith.select %ge3A_389, %sub3A_386, %mul3A_392 : vector<128x128xi1>, vector<128x128xf32>
    %max3A_394 = arith.maximumf %max3A_382, %select_n3A_393 : vector<128x128xf32>
    %slice3A_395 = vector.extract_strided_slice %neg3A_108 {offsets = [3072, 0], sizes = [128, 128], strides = [1, 1]} : vector<4096x128xf32> to vector<128x128xf32>
    %add3A_396 = arith.addf %slice3A_395, %dot_general3A_91 : vector<128x128xf32>
    %slice3A_397 = vector.extract_strided_slice %dot_general3A_87 {offsets = [3072, 0], sizes = [128, 128], strides = [1, 1]} : vector<4096x128xf32> to vector<128x128xf32>
    %sub3A_398 = arith.subf %add3A_396, %slice3A_397 : vector<128x128xf32>
    %ge3A_399 = arith.constant 0.000000e+00 : f32
    %ge3A_400 = vector.broadcast %ge3A_399 : f32 to vector<128x128xf32>
    %ge3A_401 = arith.cmpf oge, %sub3A_398, %ge3A_400 : vector<128x128xf32>
    %mul3A_402 = arith.constant 2.000000e-01 : f32
    %mul3A_403 = vector.broadcast %mul3A_402 : f32 to vector<128x128xf32>
    %mul3A_404 = arith.mulf %mul3A_403, %sub3A_398 : vector<128x128xf32>
    %select_n3A_405 = arith.select %ge3A_401, %sub3A_398, %mul3A_404 : vector<128x128xi1>, vector<128x128xf32>
    %max3A_406 = arith.maximumf %max3A_394, %select_n3A_405 : vector<128x128xf32>
    %slice3A_407 = vector.extract_strided_slice %neg3A_108 {offsets = [3200, 0], sizes = [128, 128], strides = [1, 1]} : vector<4096x128xf32> to vector<128x128xf32>
    %add3A_408 = arith.addf %slice3A_407, %dot_general3A_91 : vector<128x128xf32>
    %slice3A_409 = vector.extract_strided_slice %dot_general3A_87 {offsets = [3200, 0], sizes = [128, 128], strides = [1, 1]} : vector<4096x128xf32> to vector<128x128xf32>
    %sub3A_410 = arith.subf %add3A_408, %slice3A_409 : vector<128x128xf32>
    %ge3A_411 = arith.constant 0.000000e+00 : f32
    %ge3A_412 = vector.broadcast %ge3A_411 : f32 to vector<128x128xf32>
    %ge3A_413 = arith.cmpf oge, %sub3A_410, %ge3A_412 : vector<128x128xf32>
    %mul3A_414 = arith.constant 2.000000e-01 : f32
    %mul3A_415 = vector.broadcast %mul3A_414 : f32 to vector<128x128xf32>
    %mul3A_416 = arith.mulf %mul3A_415, %sub3A_410 : vector<128x128xf32>
    %select_n3A_417 = arith.select %ge3A_413, %sub3A_410, %mul3A_416 : vector<128x128xi1>, vector<128x128xf32>
    %max3A_418 = arith.maximumf %max3A_406, %select_n3A_417 : vector<128x128xf32>
    %slice3A_419 = vector.extract_strided_slice %neg3A_108 {offsets = [3328, 0], sizes = [128, 128], strides = [1, 1]} : vector<4096x128xf32> to vector<128x128xf32>
    %add3A_420 = arith.addf %slice3A_419, %dot_general3A_91 : vector<128x128xf32>
    %slice3A_421 = vector.extract_strided_slice %dot_general3A_87 {offsets = [3328, 0], sizes = [128, 128], strides = [1, 1]} : vector<4096x128xf32> to vector<128x128xf32>
    %sub3A_422 = arith.subf %add3A_420, %slice3A_421 : vector<128x128xf32>
    %ge3A_423 = arith.constant 0.000000e+00 : f32
    %ge3A_424 = vector.broadcast %ge3A_423 : f32 to vector<128x128xf32>
    %ge3A_425 = arith.cmpf oge, %sub3A_422, %ge3A_424 : vector<128x128xf32>
    %mul3A_426 = arith.constant 2.000000e-01 : f32
    %mul3A_427 = vector.broadcast %mul3A_426 : f32 to vector<128x128xf32>
    %mul3A_428 = arith.mulf %mul3A_427, %sub3A_422 : vector<128x128xf32>
    %select_n3A_429 = arith.select %ge3A_425, %sub3A_422, %mul3A_428 : vector<128x128xi1>, vector<128x128xf32>
    %max3A_430 = arith.maximumf %max3A_418, %select_n3A_429 : vector<128x128xf32>
    %slice3A_431 = vector.extract_strided_slice %neg3A_108 {offsets = [3456, 0], sizes = [128, 128], strides = [1, 1]} : vector<4096x128xf32> to vector<128x128xf32>
    %add3A_432 = arith.addf %slice3A_431, %dot_general3A_91 : vector<128x128xf32>
    %slice3A_433 = vector.extract_strided_slice %dot_general3A_87 {offsets = [3456, 0], sizes = [128, 128], strides = [1, 1]} : vector<4096x128xf32> to vector<128x128xf32>
    %sub3A_434 = arith.subf %add3A_432, %slice3A_433 : vector<128x128xf32>
    %ge3A_435 = arith.constant 0.000000e+00 : f32
    %ge3A_436 = vector.broadcast %ge3A_435 : f32 to vector<128x128xf32>
    %ge3A_437 = arith.cmpf oge, %sub3A_434, %ge3A_436 : vector<128x128xf32>
    %mul3A_438 = arith.constant 2.000000e-01 : f32
    %mul3A_439 = vector.broadcast %mul3A_438 : f32 to vector<128x128xf32>
    %mul3A_440 = arith.mulf %mul3A_439, %sub3A_434 : vector<128x128xf32>
    %select_n3A_441 = arith.select %ge3A_437, %sub3A_434, %mul3A_440 : vector<128x128xi1>, vector<128x128xf32>
    %max3A_442 = arith.maximumf %max3A_430, %select_n3A_441 : vector<128x128xf32>
    %slice3A_443 = vector.extract_strided_slice %neg3A_108 {offsets = [3584, 0], sizes = [128, 128], strides = [1, 1]} : vector<4096x128xf32> to vector<128x128xf32>
    %add3A_444 = arith.addf %slice3A_443, %dot_general3A_91 : vector<128x128xf32>
    %slice3A_445 = vector.extract_strided_slice %dot_general3A_87 {offsets = [3584, 0], sizes = [128, 128], strides = [1, 1]} : vector<4096x128xf32> to vector<128x128xf32>
    %sub3A_446 = arith.subf %add3A_444, %slice3A_445 : vector<128x128xf32>
    %ge3A_447 = arith.constant 0.000000e+00 : f32
    %ge3A_448 = vector.broadcast %ge3A_447 : f32 to vector<128x128xf32>
    %ge3A_449 = arith.cmpf oge, %sub3A_446, %ge3A_448 : vector<128x128xf32>
    %mul3A_450 = arith.constant 2.000000e-01 : f32
    %mul3A_451 = vector.broadcast %mul3A_450 : f32 to vector<128x128xf32>
    %mul3A_452 = arith.mulf %mul3A_451, %sub3A_446 : vector<128x128xf32>
    %select_n3A_453 = arith.select %ge3A_449, %sub3A_446, %mul3A_452 : vector<128x128xi1>, vector<128x128xf32>
    %max3A_454 = arith.maximumf %max3A_442, %select_n3A_453 : vector<128x128xf32>
    %slice3A_455 = vector.extract_strided_slice %neg3A_108 {offsets = [3712, 0], sizes = [128, 128], strides = [1, 1]} : vector<4096x128xf32> to vector<128x128xf32>
    %add3A_456 = arith.addf %slice3A_455, %dot_general3A_91 : vector<128x128xf32>
    %slice3A_457 = vector.extract_strided_slice %dot_general3A_87 {offsets = [3712, 0], sizes = [128, 128], strides = [1, 1]} : vector<4096x128xf32> to vector<128x128xf32>
    %sub3A_458 = arith.subf %add3A_456, %slice3A_457 : vector<128x128xf32>
    %ge3A_459 = arith.constant 0.000000e+00 : f32
    %ge3A_460 = vector.broadcast %ge3A_459 : f32 to vector<128x128xf32>
    %ge3A_461 = arith.cmpf oge, %sub3A_458, %ge3A_460 : vector<128x128xf32>
    %mul3A_462 = arith.constant 2.000000e-01 : f32
    %mul3A_463 = vector.broadcast %mul3A_462 : f32 to vector<128x128xf32>
    %mul3A_464 = arith.mulf %mul3A_463, %sub3A_458 : vector<128x128xf32>
    %select_n3A_465 = arith.select %ge3A_461, %sub3A_458, %mul3A_464 : vector<128x128xi1>, vector<128x128xf32>
    %max3A_466 = arith.maximumf %max3A_454, %select_n3A_465 : vector<128x128xf32>
    %slice3A_467 = vector.extract_strided_slice %neg3A_108 {offsets = [3840, 0], sizes = [128, 128], strides = [1, 1]} : vector<4096x128xf32> to vector<128x128xf32>
    %add3A_468 = arith.addf %slice3A_467, %dot_general3A_91 : vector<128x128xf32>
    %slice3A_469 = vector.extract_strided_slice %dot_general3A_87 {offsets = [3840, 0], sizes = [128, 128], strides = [1, 1]} : vector<4096x128xf32> to vector<128x128xf32>
    %sub3A_470 = arith.subf %add3A_468, %slice3A_469 : vector<128x128xf32>
    %ge3A_471 = arith.constant 0.000000e+00 : f32
    %ge3A_472 = vector.broadcast %ge3A_471 : f32 to vector<128x128xf32>
    %ge3A_473 = arith.cmpf oge, %sub3A_470, %ge3A_472 : vector<128x128xf32>
    %mul3A_474 = arith.constant 2.000000e-01 : f32
    %mul3A_475 = vector.broadcast %mul3A_474 : f32 to vector<128x128xf32>
    %mul3A_476 = arith.mulf %mul3A_475, %sub3A_470 : vector<128x128xf32>
    %select_n3A_477 = arith.select %ge3A_473, %sub3A_470, %mul3A_476 : vector<128x128xi1>, vector<128x128xf32>
    %max3A_478 = arith.maximumf %max3A_466, %select_n3A_477 : vector<128x128xf32>
    %slice3A_479 = vector.extract_strided_slice %neg3A_108 {offsets = [3968, 0], sizes = [128, 128], strides = [1, 1]} : vector<4096x128xf32> to vector<128x128xf32>
    %add3A_480 = arith.addf %slice3A_479, %dot_general3A_91 : vector<128x128xf32>
    %slice3A_481 = vector.extract_strided_slice %dot_general3A_87 {offsets = [3968, 0], sizes = [128, 128], strides = [1, 1]} : vector<4096x128xf32> to vector<128x128xf32>
    %sub3A_482 = arith.subf %add3A_480, %slice3A_481 : vector<128x128xf32>
    %ge3A_483 = arith.constant 0.000000e+00 : f32
    %ge3A_484 = vector.broadcast %ge3A_483 : f32 to vector<128x128xf32>
    %ge3A_485 = arith.cmpf oge, %sub3A_482, %ge3A_484 : vector<128x128xf32>
    %mul3A_486 = arith.constant 2.000000e-01 : f32
    %mul3A_487 = vector.broadcast %mul3A_486 : f32 to vector<128x128xf32>
    %mul3A_488 = arith.mulf %mul3A_487, %sub3A_482 : vector<128x128xf32>
    %select_n3A_489 = arith.select %ge3A_485, %sub3A_482, %mul3A_488 : vector<128x128xi1>, vector<128x128xf32>
    %max3A_490 = arith.maximumf %max3A_478, %select_n3A_489 : vector<128x128xf32>
    %broadcast_in_dim3A_491 = arith.constant 0.000000e+00 : f32
    %broadcast_in_dim3A_492 = vector.broadcast %broadcast_in_dim3A_491 : f32 to vector<128x128xf32>
    %broadcast_in_dim3A_493 = arith.constant 0.000000e+00 : f32
    %broadcast_in_dim3A_494 = vector.broadcast %broadcast_in_dim3A_493 : f32 to vector<128x128xf32>
    %sub3A_495 = arith.subf %select_n3A, %max3A_490 : vector<128x128xf32>
    %exp3A = math.exp %sub3A_495 : vector<128x128xf32>
    %add3A_496 = arith.addf %broadcast_in_dim3A_492, %exp3A : vector<128x128xf32>
    %slice3A_497 = vector.extract_strided_slice %max3A_45 {offsets = [0, 0], sizes = [128, 128], strides = [1, 1]} : vector<4096x128xf32> to vector<128x128xf32>
    %mul3A_498 = arith.mulf %exp3A, %slice3A_497 : vector<128x128xf32>
    %add3A_499 = arith.addf %broadcast_in_dim3A_494, %mul3A_498 : vector<128x128xf32>
    %sub3A_500 = arith.subf %select_n3A_129, %max3A_490 : vector<128x128xf32>
    %exp3A_501 = math.exp %sub3A_500 : vector<128x128xf32>
    %add3A_502 = arith.addf %add3A_496, %exp3A_501 : vector<128x128xf32>
    %slice3A_503 = vector.extract_strided_slice %max3A_45 {offsets = [128, 0], sizes = [128, 128], strides = [1, 1]} : vector<4096x128xf32> to vector<128x128xf32>
    %mul3A_504 = arith.mulf %exp3A_501, %slice3A_503 : vector<128x128xf32>
    %add3A_505 = arith.addf %add3A_499, %mul3A_504 : vector<128x128xf32>
    %sub3A_506 = arith.subf %select_n3A_141, %max3A_490 : vector<128x128xf32>
    %exp3A_507 = math.exp %sub3A_506 : vector<128x128xf32>
    %add3A_508 = arith.addf %add3A_502, %exp3A_507 : vector<128x128xf32>
    %slice3A_509 = vector.extract_strided_slice %max3A_45 {offsets = [256, 0], sizes = [128, 128], strides = [1, 1]} : vector<4096x128xf32> to vector<128x128xf32>
    %mul3A_510 = arith.mulf %exp3A_507, %slice3A_509 : vector<128x128xf32>
    %add3A_511 = arith.addf %add3A_505, %mul3A_510 : vector<128x128xf32>
    %sub3A_512 = arith.subf %select_n3A_153, %max3A_490 : vector<128x128xf32>
    %exp3A_513 = math.exp %sub3A_512 : vector<128x128xf32>
    %add3A_514 = arith.addf %add3A_508, %exp3A_513 : vector<128x128xf32>
    %slice3A_515 = vector.extract_strided_slice %max3A_45 {offsets = [384, 0], sizes = [128, 128], strides = [1, 1]} : vector<4096x128xf32> to vector<128x128xf32>
    %mul3A_516 = arith.mulf %exp3A_513, %slice3A_515 : vector<128x128xf32>
    %add3A_517 = arith.addf %add3A_511, %mul3A_516 : vector<128x128xf32>
    %sub3A_518 = arith.subf %select_n3A_165, %max3A_490 : vector<128x128xf32>
    %exp3A_519 = math.exp %sub3A_518 : vector<128x128xf32>
    %add3A_520 = arith.addf %add3A_514, %exp3A_519 : vector<128x128xf32>
    %slice3A_521 = vector.extract_strided_slice %max3A_45 {offsets = [512, 0], sizes = [128, 128], strides = [1, 1]} : vector<4096x128xf32> to vector<128x128xf32>
    %mul3A_522 = arith.mulf %exp3A_519, %slice3A_521 : vector<128x128xf32>
    %add3A_523 = arith.addf %add3A_517, %mul3A_522 : vector<128x128xf32>
    %sub3A_524 = arith.subf %select_n3A_177, %max3A_490 : vector<128x128xf32>
    %exp3A_525 = math.exp %sub3A_524 : vector<128x128xf32>
    %add3A_526 = arith.addf %add3A_520, %exp3A_525 : vector<128x128xf32>
    %slice3A_527 = vector.extract_strided_slice %max3A_45 {offsets = [640, 0], sizes = [128, 128], strides = [1, 1]} : vector<4096x128xf32> to vector<128x128xf32>
    %mul3A_528 = arith.mulf %exp3A_525, %slice3A_527 : vector<128x128xf32>
    %add3A_529 = arith.addf %add3A_523, %mul3A_528 : vector<128x128xf32>
    %sub3A_530 = arith.subf %select_n3A_189, %max3A_490 : vector<128x128xf32>
    %exp3A_531 = math.exp %sub3A_530 : vector<128x128xf32>
    %add3A_532 = arith.addf %add3A_526, %exp3A_531 : vector<128x128xf32>
    %slice3A_533 = vector.extract_strided_slice %max3A_45 {offsets = [768, 0], sizes = [128, 128], strides = [1, 1]} : vector<4096x128xf32> to vector<128x128xf32>
    %mul3A_534 = arith.mulf %exp3A_531, %slice3A_533 : vector<128x128xf32>
    %add3A_535 = arith.addf %add3A_529, %mul3A_534 : vector<128x128xf32>
    %sub3A_536 = arith.subf %select_n3A_201, %max3A_490 : vector<128x128xf32>
    %exp3A_537 = math.exp %sub3A_536 : vector<128x128xf32>
    %add3A_538 = arith.addf %add3A_532, %exp3A_537 : vector<128x128xf32>
    %slice3A_539 = vector.extract_strided_slice %max3A_45 {offsets = [896, 0], sizes = [128, 128], strides = [1, 1]} : vector<4096x128xf32> to vector<128x128xf32>
    %mul3A_540 = arith.mulf %exp3A_537, %slice3A_539 : vector<128x128xf32>
    %add3A_541 = arith.addf %add3A_535, %mul3A_540 : vector<128x128xf32>
    %sub3A_542 = arith.subf %select_n3A_213, %max3A_490 : vector<128x128xf32>
    %exp3A_543 = math.exp %sub3A_542 : vector<128x128xf32>
    %add3A_544 = arith.addf %add3A_538, %exp3A_543 : vector<128x128xf32>
    %slice3A_545 = vector.extract_strided_slice %max3A_45 {offsets = [1024, 0], sizes = [128, 128], strides = [1, 1]} : vector<4096x128xf32> to vector<128x128xf32>
    %mul3A_546 = arith.mulf %exp3A_543, %slice3A_545 : vector<128x128xf32>
    %add3A_547 = arith.addf %add3A_541, %mul3A_546 : vector<128x128xf32>
    %sub3A_548 = arith.subf %select_n3A_225, %max3A_490 : vector<128x128xf32>
    %exp3A_549 = math.exp %sub3A_548 : vector<128x128xf32>
    %add3A_550 = arith.addf %add3A_544, %exp3A_549 : vector<128x128xf32>
    %slice3A_551 = vector.extract_strided_slice %max3A_45 {offsets = [1152, 0], sizes = [128, 128], strides = [1, 1]} : vector<4096x128xf32> to vector<128x128xf32>
    %mul3A_552 = arith.mulf %exp3A_549, %slice3A_551 : vector<128x128xf32>
    %add3A_553 = arith.addf %add3A_547, %mul3A_552 : vector<128x128xf32>
    %sub3A_554 = arith.subf %select_n3A_237, %max3A_490 : vector<128x128xf32>
    %exp3A_555 = math.exp %sub3A_554 : vector<128x128xf32>
    %add3A_556 = arith.addf %add3A_550, %exp3A_555 : vector<128x128xf32>
    %slice3A_557 = vector.extract_strided_slice %max3A_45 {offsets = [1280, 0], sizes = [128, 128], strides = [1, 1]} : vector<4096x128xf32> to vector<128x128xf32>
    %mul3A_558 = arith.mulf %exp3A_555, %slice3A_557 : vector<128x128xf32>
    %add3A_559 = arith.addf %add3A_553, %mul3A_558 : vector<128x128xf32>
    %sub3A_560 = arith.subf %select_n3A_249, %max3A_490 : vector<128x128xf32>
    %exp3A_561 = math.exp %sub3A_560 : vector<128x128xf32>
    %add3A_562 = arith.addf %add3A_556, %exp3A_561 : vector<128x128xf32>
    %slice3A_563 = vector.extract_strided_slice %max3A_45 {offsets = [1408, 0], sizes = [128, 128], strides = [1, 1]} : vector<4096x128xf32> to vector<128x128xf32>
    %mul3A_564 = arith.mulf %exp3A_561, %slice3A_563 : vector<128x128xf32>
    %add3A_565 = arith.addf %add3A_559, %mul3A_564 : vector<128x128xf32>
    %sub3A_566 = arith.subf %select_n3A_261, %max3A_490 : vector<128x128xf32>
    %exp3A_567 = math.exp %sub3A_566 : vector<128x128xf32>
    %add3A_568 = arith.addf %add3A_562, %exp3A_567 : vector<128x128xf32>
    %slice3A_569 = vector.extract_strided_slice %max3A_45 {offsets = [1536, 0], sizes = [128, 128], strides = [1, 1]} : vector<4096x128xf32> to vector<128x128xf32>
    %mul3A_570 = arith.mulf %exp3A_567, %slice3A_569 : vector<128x128xf32>
    %add3A_571 = arith.addf %add3A_565, %mul3A_570 : vector<128x128xf32>
    %sub3A_572 = arith.subf %select_n3A_273, %max3A_490 : vector<128x128xf32>
    %exp3A_573 = math.exp %sub3A_572 : vector<128x128xf32>
    %add3A_574 = arith.addf %add3A_568, %exp3A_573 : vector<128x128xf32>
    %slice3A_575 = vector.extract_strided_slice %max3A_45 {offsets = [1664, 0], sizes = [128, 128], strides = [1, 1]} : vector<4096x128xf32> to vector<128x128xf32>
    %mul3A_576 = arith.mulf %exp3A_573, %slice3A_575 : vector<128x128xf32>
    %add3A_577 = arith.addf %add3A_571, %mul3A_576 : vector<128x128xf32>
    %sub3A_578 = arith.subf %select_n3A_285, %max3A_490 : vector<128x128xf32>
    %exp3A_579 = math.exp %sub3A_578 : vector<128x128xf32>
    %add3A_580 = arith.addf %add3A_574, %exp3A_579 : vector<128x128xf32>
    %slice3A_581 = vector.extract_strided_slice %max3A_45 {offsets = [1792, 0], sizes = [128, 128], strides = [1, 1]} : vector<4096x128xf32> to vector<128x128xf32>
    %mul3A_582 = arith.mulf %exp3A_579, %slice3A_581 : vector<128x128xf32>
    %add3A_583 = arith.addf %add3A_577, %mul3A_582 : vector<128x128xf32>
    %sub3A_584 = arith.subf %select_n3A_297, %max3A_490 : vector<128x128xf32>
    %exp3A_585 = math.exp %sub3A_584 : vector<128x128xf32>
    %add3A_586 = arith.addf %add3A_580, %exp3A_585 : vector<128x128xf32>
    %slice3A_587 = vector.extract_strided_slice %max3A_45 {offsets = [1920, 0], sizes = [128, 128], strides = [1, 1]} : vector<4096x128xf32> to vector<128x128xf32>
    %mul3A_588 = arith.mulf %exp3A_585, %slice3A_587 : vector<128x128xf32>
    %add3A_589 = arith.addf %add3A_583, %mul3A_588 : vector<128x128xf32>
    %sub3A_590 = arith.subf %select_n3A_309, %max3A_490 : vector<128x128xf32>
    %exp3A_591 = math.exp %sub3A_590 : vector<128x128xf32>
    %add3A_592 = arith.addf %add3A_586, %exp3A_591 : vector<128x128xf32>
    %slice3A_593 = vector.extract_strided_slice %max3A_45 {offsets = [2048, 0], sizes = [128, 128], strides = [1, 1]} : vector<4096x128xf32> to vector<128x128xf32>
    %mul3A_594 = arith.mulf %exp3A_591, %slice3A_593 : vector<128x128xf32>
    %add3A_595 = arith.addf %add3A_589, %mul3A_594 : vector<128x128xf32>
    %sub3A_596 = arith.subf %select_n3A_321, %max3A_490 : vector<128x128xf32>
    %exp3A_597 = math.exp %sub3A_596 : vector<128x128xf32>
    %add3A_598 = arith.addf %add3A_592, %exp3A_597 : vector<128x128xf32>
    %slice3A_599 = vector.extract_strided_slice %max3A_45 {offsets = [2176, 0], sizes = [128, 128], strides = [1, 1]} : vector<4096x128xf32> to vector<128x128xf32>
    %mul3A_600 = arith.mulf %exp3A_597, %slice3A_599 : vector<128x128xf32>
    %add3A_601 = arith.addf %add3A_595, %mul3A_600 : vector<128x128xf32>
    %sub3A_602 = arith.subf %select_n3A_333, %max3A_490 : vector<128x128xf32>
    %exp3A_603 = math.exp %sub3A_602 : vector<128x128xf32>
    %add3A_604 = arith.addf %add3A_598, %exp3A_603 : vector<128x128xf32>
    %slice3A_605 = vector.extract_strided_slice %max3A_45 {offsets = [2304, 0], sizes = [128, 128], strides = [1, 1]} : vector<4096x128xf32> to vector<128x128xf32>
    %mul3A_606 = arith.mulf %exp3A_603, %slice3A_605 : vector<128x128xf32>
    %add3A_607 = arith.addf %add3A_601, %mul3A_606 : vector<128x128xf32>
    %sub3A_608 = arith.subf %select_n3A_345, %max3A_490 : vector<128x128xf32>
    %exp3A_609 = math.exp %sub3A_608 : vector<128x128xf32>
    %add3A_610 = arith.addf %add3A_604, %exp3A_609 : vector<128x128xf32>
    %slice3A_611 = vector.extract_strided_slice %max3A_45 {offsets = [2432, 0], sizes = [128, 128], strides = [1, 1]} : vector<4096x128xf32> to vector<128x128xf32>
    %mul3A_612 = arith.mulf %exp3A_609, %slice3A_611 : vector<128x128xf32>
    %add3A_613 = arith.addf %add3A_607, %mul3A_612 : vector<128x128xf32>
    %sub3A_614 = arith.subf %select_n3A_357, %max3A_490 : vector<128x128xf32>
    %exp3A_615 = math.exp %sub3A_614 : vector<128x128xf32>
    %add3A_616 = arith.addf %add3A_610, %exp3A_615 : vector<128x128xf32>
    %slice3A_617 = vector.extract_strided_slice %max3A_45 {offsets = [2560, 0], sizes = [128, 128], strides = [1, 1]} : vector<4096x128xf32> to vector<128x128xf32>
    %mul3A_618 = arith.mulf %exp3A_615, %slice3A_617 : vector<128x128xf32>
    %add3A_619 = arith.addf %add3A_613, %mul3A_618 : vector<128x128xf32>
    %sub3A_620 = arith.subf %select_n3A_369, %max3A_490 : vector<128x128xf32>
    %exp3A_621 = math.exp %sub3A_620 : vector<128x128xf32>
    %add3A_622 = arith.addf %add3A_616, %exp3A_621 : vector<128x128xf32>
    %slice3A_623 = vector.extract_strided_slice %max3A_45 {offsets = [2688, 0], sizes = [128, 128], strides = [1, 1]} : vector<4096x128xf32> to vector<128x128xf32>
    %mul3A_624 = arith.mulf %exp3A_621, %slice3A_623 : vector<128x128xf32>
    %add3A_625 = arith.addf %add3A_619, %mul3A_624 : vector<128x128xf32>
    %sub3A_626 = arith.subf %select_n3A_381, %max3A_490 : vector<128x128xf32>
    %exp3A_627 = math.exp %sub3A_626 : vector<128x128xf32>
    %add3A_628 = arith.addf %add3A_622, %exp3A_627 : vector<128x128xf32>
    %slice3A_629 = vector.extract_strided_slice %max3A_45 {offsets = [2816, 0], sizes = [128, 128], strides = [1, 1]} : vector<4096x128xf32> to vector<128x128xf32>
    %mul3A_630 = arith.mulf %exp3A_627, %slice3A_629 : vector<128x128xf32>
    %add3A_631 = arith.addf %add3A_625, %mul3A_630 : vector<128x128xf32>
    %sub3A_632 = arith.subf %select_n3A_393, %max3A_490 : vector<128x128xf32>
    %exp3A_633 = math.exp %sub3A_632 : vector<128x128xf32>
    %add3A_634 = arith.addf %add3A_628, %exp3A_633 : vector<128x128xf32>
    %slice3A_635 = vector.extract_strided_slice %max3A_45 {offsets = [2944, 0], sizes = [128, 128], strides = [1, 1]} : vector<4096x128xf32> to vector<128x128xf32>
    %mul3A_636 = arith.mulf %exp3A_633, %slice3A_635 : vector<128x128xf32>
    %add3A_637 = arith.addf %add3A_631, %mul3A_636 : vector<128x128xf32>
    %sub3A_638 = arith.subf %select_n3A_405, %max3A_490 : vector<128x128xf32>
    %exp3A_639 = math.exp %sub3A_638 : vector<128x128xf32>
    %add3A_640 = arith.addf %add3A_634, %exp3A_639 : vector<128x128xf32>
    %slice3A_641 = vector.extract_strided_slice %max3A_45 {offsets = [3072, 0], sizes = [128, 128], strides = [1, 1]} : vector<4096x128xf32> to vector<128x128xf32>
    %mul3A_642 = arith.mulf %exp3A_639, %slice3A_641 : vector<128x128xf32>
    %add3A_643 = arith.addf %add3A_637, %mul3A_642 : vector<128x128xf32>
    %sub3A_644 = arith.subf %select_n3A_417, %max3A_490 : vector<128x128xf32>
    %exp3A_645 = math.exp %sub3A_644 : vector<128x128xf32>
    %add3A_646 = arith.addf %add3A_640, %exp3A_645 : vector<128x128xf32>
    %slice3A_647 = vector.extract_strided_slice %max3A_45 {offsets = [3200, 0], sizes = [128, 128], strides = [1, 1]} : vector<4096x128xf32> to vector<128x128xf32>
    %mul3A_648 = arith.mulf %exp3A_645, %slice3A_647 : vector<128x128xf32>
    %add3A_649 = arith.addf %add3A_643, %mul3A_648 : vector<128x128xf32>
    %sub3A_650 = arith.subf %select_n3A_429, %max3A_490 : vector<128x128xf32>
    %exp3A_651 = math.exp %sub3A_650 : vector<128x128xf32>
    %add3A_652 = arith.addf %add3A_646, %exp3A_651 : vector<128x128xf32>
    %slice3A_653 = vector.extract_strided_slice %max3A_45 {offsets = [3328, 0], sizes = [128, 128], strides = [1, 1]} : vector<4096x128xf32> to vector<128x128xf32>
    %mul3A_654 = arith.mulf %exp3A_651, %slice3A_653 : vector<128x128xf32>
    %add3A_655 = arith.addf %add3A_649, %mul3A_654 : vector<128x128xf32>
    %sub3A_656 = arith.subf %select_n3A_441, %max3A_490 : vector<128x128xf32>
    %exp3A_657 = math.exp %sub3A_656 : vector<128x128xf32>
    %add3A_658 = arith.addf %add3A_652, %exp3A_657 : vector<128x128xf32>
    %slice3A_659 = vector.extract_strided_slice %max3A_45 {offsets = [3456, 0], sizes = [128, 128], strides = [1, 1]} : vector<4096x128xf32> to vector<128x128xf32>
    %mul3A_660 = arith.mulf %exp3A_657, %slice3A_659 : vector<128x128xf32>
    %add3A_661 = arith.addf %add3A_655, %mul3A_660 : vector<128x128xf32>
    %sub3A_662 = arith.subf %select_n3A_453, %max3A_490 : vector<128x128xf32>
    %exp3A_663 = math.exp %sub3A_662 : vector<128x128xf32>
    %add3A_664 = arith.addf %add3A_658, %exp3A_663 : vector<128x128xf32>
    %slice3A_665 = vector.extract_strided_slice %max3A_45 {offsets = [3584, 0], sizes = [128, 128], strides = [1, 1]} : vector<4096x128xf32> to vector<128x128xf32>
    %mul3A_666 = arith.mulf %exp3A_663, %slice3A_665 : vector<128x128xf32>
    %add3A_667 = arith.addf %add3A_661, %mul3A_666 : vector<128x128xf32>
    %sub3A_668 = arith.subf %select_n3A_465, %max3A_490 : vector<128x128xf32>
    %exp3A_669 = math.exp %sub3A_668 : vector<128x128xf32>
    %add3A_670 = arith.addf %add3A_664, %exp3A_669 : vector<128x128xf32>
    %slice3A_671 = vector.extract_strided_slice %max3A_45 {offsets = [3712, 0], sizes = [128, 128], strides = [1, 1]} : vector<4096x128xf32> to vector<128x128xf32>
    %mul3A_672 = arith.mulf %exp3A_669, %slice3A_671 : vector<128x128xf32>
    %add3A_673 = arith.addf %add3A_667, %mul3A_672 : vector<128x128xf32>
    %sub3A_674 = arith.subf %select_n3A_477, %max3A_490 : vector<128x128xf32>
    %exp3A_675 = math.exp %sub3A_674 : vector<128x128xf32>
    %add3A_676 = arith.addf %add3A_670, %exp3A_675 : vector<128x128xf32>
    %slice3A_677 = vector.extract_strided_slice %max3A_45 {offsets = [3840, 0], sizes = [128, 128], strides = [1, 1]} : vector<4096x128xf32> to vector<128x128xf32>
    %mul3A_678 = arith.mulf %exp3A_675, %slice3A_677 : vector<128x128xf32>
    %add3A_679 = arith.addf %add3A_673, %mul3A_678 : vector<128x128xf32>
    %sub3A_680 = arith.subf %select_n3A_489, %max3A_490 : vector<128x128xf32>
    %exp3A_681 = math.exp %sub3A_680 : vector<128x128xf32>
    %add3A_682 = arith.addf %add3A_676, %exp3A_681 : vector<128x128xf32>
    %slice3A_683 = vector.extract_strided_slice %max3A_45 {offsets = [3968, 0], sizes = [128, 128], strides = [1, 1]} : vector<4096x128xf32> to vector<128x128xf32>
    %mul3A_684 = arith.mulf %exp3A_681, %slice3A_683 : vector<128x128xf32>
    %add3A_685 = arith.addf %add3A_679, %mul3A_684 : vector<128x128xf32>
    %div3A = arith.divf %add3A_685, %add3A_682 : vector<128x128xf32>
    %swap3A = arith.constant 0 : index
    %swap3A_686 = arith.constant 0 : index
    %swap3A_687 = arith.constant 0 : index
    %swap3A_688 = vector.load %arg11[%swap3A, %swap3A_686, %swap3A_687] : memref<1x128x128xf32, #tpu.memory_space<vmem>>, vector<1x128x128xf32>
    %swap3A_689 = vector.shape_cast %swap3A_688 : vector<1x128x128xf32> to vector<128x128xf32>
    %swap3A_690 = vector.shape_cast %div3A : vector<128x128xf32> to vector<1x128x128xf32>
    tpu.vector_store %arg11[%swap3A, %swap3A_686, %swap3A_687], %swap3A_690 {strides = array<i32>} : memref<1x128x128xf32, #tpu.memory_space<vmem>>, vector<1x128x128xf32>,
    return
  }
  func.func @transform_0(%arg0: i32, %arg1: i32) -> (i32, i32, i32, i32) {
    %c0_i32 = arith.constant 0 : i32
    %c0_i32_0 = arith.constant 0 : i32
    %c0_i32_1 = arith.constant 0 : i32
    return %arg0, %c0_i32, %arg1, %c0_i32_0 : i32, i32, i32, i32
  }
  func.func @transform_1(%arg0: i32, %arg1: i32) -> (i32, i32, i32) {
    %c0_i32 = arith.constant 0 : i32
    %c0_i32_0 = arith.constant 0 : i32
    return %arg0, %arg1, %c0_i32 : i32, i32, i32
  }
  func.func @transform_2(%arg0: i32, %arg1: i32) -> (i32, i32) {
    %c0_i32 = arith.constant 0 : i32
    %c0_i32_0 = arith.constant 0 : i32
    %c0_i32_1 = arith.constant 0 : i32
    return %c0_i32, %c0_i32_0 : i32, i32
  }
  func.func @transform_3(%arg0: i32, %arg1: i32) -> (i32, i32) {
    %c0_i32 = arith.constant 0 : i32
    %c0_i32_0 = arith.constant 0 : i32
    %c0_i32_1 = arith.constant 0 : i32
    return %c0_i32, %c0_i32_0 : i32, i32
  }
  func.func @transform_4(%arg0: i32, %arg1: i32) -> (i32, i32) {
    %c0_i32 = arith.constant 0 : i32
    %c0_i32_0 = arith.constant 0 : i32
    %c0_i32_1 = arith.constant 0 : i32
    return %c0_i32, %c0_i32_0 : i32, i32
  }
  func.func @transform_5(%arg0: i32, %arg1: i32) -> (i32, i32) {
    %c0_i32 = arith.constant 0 : i32
    %c0_i32_0 = arith.constant 0 : i32
    %c0_i32_1 = arith.constant 0 : i32
    return %c0_i32, %c0_i32_0 : i32, i32
  }
  func.func @transform_6(%arg0: i32, %arg1: i32) -> (i32, i32) {
    %c0_i32 = arith.constant 0 : i32
    %c0_i32_0 = arith.constant 0 : i32
    %c0_i32_1 = arith.constant 0 : i32
    return %c0_i32, %c0_i32_0 : i32, i32
  }
  func.func @transform_7(%arg0: i32, %arg1: i32) -> (i32, i32) {
    %c0_i32 = arith.constant 0 : i32
    %c0_i32_0 = arith.constant 0 : i32
    %c0_i32_1 = arith.constant 0 : i32
    return %c0_i32, %c0_i32_0 : i32, i32
  }
  func.func @transform_8(%arg0: i32, %arg1: i32) -> (i32, i32) {
    %c0_i32 = arith.constant 0 : i32
    %c0_i32_0 = arith.constant 0 : i32
    %c0_i32_1 = arith.constant 0 : i32
    return %c0_i32, %c0_i32_0 : i32, i32
  }
  func.func @transform_9(%arg0: i32, %arg1: i32) -> (i32, i32, i32) {
    %c0_i32 = arith.constant 0 : i32
    %c0_i32_0 = arith.constant 0 : i32
    return %arg0, %arg1, %c0_i32 : i32, i32, i32
  }
}

</mosaic_0001>

<sc_bundles>
// kernel: gather_offload_async_start.1
scs
__scs_entry_jumppad:
0x0: {  	(pc) =	sbr.rel $0x88, $3  }
0x1: {  	(tag) =	ssettag $0x0;
	lr =	simm.s32 $0x1  }
0x2: {  	[smem:$0x3F92] =	sst lr;
	_ =	strace $0xD0000000  }
0x3: {  	_ = 	snop  }
0x4: {  	_ = 	snop  }
0x5: {  	_ = 	snop  }
0x6: {  	_ = 	snop  }
0x7: {  	_ = 	snop  }
__scs_overlays_trampoline_lowered:
0x8: {  	[smem:$0x3FA1] =	sst s0  }
0x9: {  	[smem:$0x3FA2] =	sst s1  }
0xa: {  	[smem:$0x3FA3] =	sst s2  }
0xb: {  	[smem:$0x3FA4] =	sst s3  }
0xc: {  	[smem:$0x3FA5] =	sst s4  }
0xd: {  	[smem:$0x3FA6] =	sst s5  }
0xe: {  	[smem:$0x3FA7] =	sst s6  }
0xf: {  	[smem:$0x3FA8] =	sst s7  }
0x10: {  	[smem:$0x3FA9] =	sst s8  }
0x11: {  	[smem:$0x3FAA] =	sst s9;
	s0 =	simm.s32 @!p0 $0x0  }
0x12: {  	s1 =	sld [smem:$0x3F90];
	s0 =	simm.s32 @p0 $0x1  }
0x13: {  	[smem:$0x3FAB] =	sst s0;
	s0 =	simm.s32 @!p1 $0x0  }
0x14: {  	s2 =	sld [smem:$0x3F8F];
	s0 =	simm.s32 @p1 $0x1  }
0x15: {  	[smem:$0x3FAC] =	sst s0;
	s0 =	simm.s32 @!p2 $0x0  }
0x16: {  	s3 =	sld [smem:$0x3FDB];
	s0 =	simm.s32 @p2 $0x1  }
0x17: {  	s4 =	simm.s32 $0x1BF5;
	[smem:$0x3FAE] =	sst s0  }
0x18: {  	s0 =	sld [smem:$0x3F91];
	_ =	swait.ge [sflag:s4], $0x0  }
0x19: {  	s7 =	sld [smem:$0x3F92]  }
0x1a: {  	s8 =	sadd.s32 $0xFFFFE003, lr  }
0x1b: {  	s9 =	sadd.s32 $0xFFFFFEF7, lr;
	s5 =	simm.s32 $0xFFFFFFFF;
	p2 =	slt.u32 s8, $0xFFFFF086  }
0x1c: {  	p1 =	slt.u32 s9, $0xF7A;
	s5 =	simm.s32 @!p2 $0x0  }
0x1d: {  	s5 =	simm.s32 @p1 $0x1;
	p0 =	seq.s32 s7, s2  }
0x1e: {  	s7 =	smul.u32 @!p0 $0xF7A, s2;
	p2 =	seq.s32 @!p0 s5, $0x0  }
0x1f: {  	s9 =	smul.u32 $0xF7A, s1;
	s8 =	simm.s32 @!p0 $0x1BF5;
	p2 =	por !p2, p0  }
0x20: {  	[sflag:s8] =	ssyncset.s32 @!p0 $0xFFFFF086;
	s6 =	sadd.s32 @!p0 s3, s7;
	s7 =	simm.s32 @!p0 $0x108  }
0x21: {  	s3 =	sadd.s32 s3, s9;
	s6 =	sadd.s32 @!p0 $0x88, s6;
	s7 =	simm.s32 @p2 $0x1082  }
0x22: {  	[simem:s7], [sflag:s8] =	dma.local @!p0 [hbm:s6], $0xF7A  }
0x23: {  	s9 =	sor.u32 $0xD0000000, s2;
	s6 =	simm.s32 $0x108;
	_ =	swait.ge @!p0 [sflag:s8], $0x0  }
0x24: {  	s3 =	sadd.s32 $0x88, s3;
	s6 =	simm.s32 @!p1 $0x1082;
	[sflag:s4] =	ssyncset.s32 $0xFFFFF086  }
0x25: {  	[simem:s6], [sflag:s4] =	dma.local [hbm:s3], $0xF7A  }
0x26: {  	[smem:$0x3F92] =	sst s1;
	(tag) =	ssettag s2;
	_ =	strace s9  }
0x27: {  	s1 =	sld [smem:$0x3FA2]  }
0x28: {  	s2 =	sld [smem:$0x3FA3]  }
0x29: {  	s4 =	sld [smem:$0x3FA5]  }
0x2a: {  	p0 =	seq.s32 s5, $0x0;
	s5 =	sld [smem:$0x3FA6]  }
0x2b: {  	s6 =	sld [smem:$0x3FA7]  }
0x2c: {  	s7 =	sld [smem:$0x3FA8]  }
0x2d: {  	s3 =	simm.s32 $0x108;
	s8 =	sld [smem:$0x3FA9]  }
0x2e: {  	s3 =	simm.s32 @!p0 $0x1082;
	s9 =	sld [smem:$0x3FAA]  }
0x2f: {  	lr =	sadd.s32 s0, s3;
	s0 =	sld [smem:$0x3FA1]  }
0x30: {  	s3 =	sld [smem:$0x3FA4]  }
0x31: {  	[smem:$0x3FAD] =	sst s10  }
0x32: {  	s10 =	sld [smem:$0x3FAB];
	_ =	sdelay $0x3  }
0x33: {  	p0 =	seq.s32 s10, $0x1;
	s10 =	sld [smem:$0x3FAD];
	_ =	sdelay $0x3  }
0x34: {  	[smem:$0x3FAD] =	sst s10  }
0x35: {  	s10 =	sld [smem:$0x3FAC];
	_ =	sdelay $0x3  }
0x36: {  	p1 =	seq.s32 s10, $0x1;
	s10 =	sld [smem:$0x3FAD];
	_ =	sdelay $0x3  }
0x37: {  	[smem:$0x3FAD] =	sst s10  }
0x38: {  	s10 =	sld [smem:$0x3FAE]  }
0x39: {  	_ = 	snop;
	(pc) =	sbr.ind lr, $3  }
0x3a: {  	_ = 	snop  }
0x3b: {  	_ = 	snop  }
0x3c: {  	p2 =	seq.s32 s10, $0x1;
	s10 =	sld [smem:$0x3FAD]  }
0x3d: {  	_ =	shalt  }
0x3e: {  	_ =	shalt  }
0x3f: {  	_ =	shalt  }
0x40: {  	_ =	shalt  }
0x41: {  	_ =	shalt  }
0x42: {  	_ =	shalt  }
0x43: {  	_ =	shalt  }
0x44: {  	_ =	shalt  }
0x45: {  	_ =	shalt  }
0x46: {  	_ =	shalt  }
0x47: {  	_ =	shalt  }
0x48: {  	_ =	shalt  }
0x49: {  	_ =	shalt  }
0x4a: {  	_ =	shalt  }
0x4b: {  	_ =	shalt  }
0x4c: {  	_ =	shalt  }
0x4d: {  	_ =	shalt  }
0x4e: {  	_ =	shalt  }
0x4f: {  	_ =	shalt  }
0x50: {  	_ =	shalt  }
0x51: {  	_ =	shalt  }
0x52: {  	_ =	shalt  }
0x53: {  	_ =	shalt  }
0x54: {  	_ =	shalt  }
0x55: {  	_ =	shalt  }
0x56: {  	_ =	shalt  }
0x57: {  	_ =	shalt  }
0x58: {  	_ =	shalt  }
0x59: {  	_ =	shalt  }
0x5a: {  	_ =	shalt  }
0x5b: {  	_ =	shalt  }
0x5c: {  	_ =	shalt  }
0x5d: {  	_ =	shalt  }
0x5e: {  	_ =	shalt  }
0x5f: {  	_ =	shalt  }
0x60: {  	_ =	shalt  }
0x61: {  	_ =	shalt  }
0x62: {  	_ =	shalt  }
0x63: {  	_ =	shalt  }
0x64: {  	_ =	shalt  }
0x65: {  	_ =	shalt  }
0x66: {  	_ =	shalt  }
0x67: {  	_ =	shalt  }
0x68: {  	_ =	shalt  }
0x69: {  	_ =	shalt  }
0x6a: {  	_ =	shalt  }
0x6b: {  	_ =	shalt  }
0x6c: {  	_ =	shalt  }
0x6d: {  	_ =	shalt  }
0x6e: {  	_ =	shalt  }
0x6f: {  	_ =	shalt  }
0x70: {  	_ =	shalt  }
0x71: {  	_ =	shalt  }
0x72: {  	_ =	shalt  }
0x73: {  	_ =	shalt  }
0x74: {  	_ =	shalt  }
0x75: {  	_ =	shalt  }
0x76: {  	_ =	shalt  }
0x77: {  	_ =	shalt  }
0x78: {  	_ =	shalt  }
0x79: {  	_ =	shalt  }
0x7a: {  	_ =	shalt  }
0x7b: {  	_ =	shalt  }
0x7c: {  	_ =	shalt  }
0x7d: {  	_ =	shalt  }
0x7e: {  	_ =	shalt  }
0x7f: {  	_ =	shalt  }
0x80: {  	_ =	shalt  }
0x81: {  	_ =	shalt  }
0x82: {  	_ =	shalt  }
0x83: {  	_ =	shalt  }
0x84: {  	_ =	shalt  }
0x85: {  	_ =	shalt  }
0x86: {  	_ =	shalt  }
0x87: {  	_ =	shalt  }
.Lfunc_end0:
.L_simem_size_0:
called_computation.1_lowered:
.L_overlay_start_0:
0x88: {  	s2 =	sld [smem:$0x3FD9]  }
0x89: {  	s3 =	sld [smem:$0x3FFE];
	_ =	sdelay $0x1  }
0x8a: {  	s1 =	srdreg.scid  }
0x8b: {  	s0 =	sand.u32 $0x1, s1  }
0x8c: {  	s14 =	sshll.u32 s0, $0xA;
	s2 =	sadd.s32 s3, s2  }
0x8d: {  	s2 =	sadd.s32 s2, s14  }
0x8e: {  	[smem:$0x3FB9] =	sst s2  }
0x8f: {  	_ = 	snop  }
0x90: {  	s2 =	sld [smem:$0x3FD0];
	_ =	sdelay $0x2  }
0x91: {  	s15 =	simm.s32 $0xA;
	s4 =	simm.s32 $0x10  }
0x92: {  	[smem:s4], [sflag:s15] =	dma.local [hbm:s2], $0x1  }
0x93: {  	_ =	swait.eq [sflag:s15], $0x1  }
0x94: {  	[sflag:s15] =	ssyncset.done $0x0  }
0x95: {  	[sflag:s15] =	ssyncadd.s32 $0xFFFFFFFF  }
0x96: {  	s16 =	sld [smem:$0x11];
	(tm) =	ssettm $0x1  }
0x97: {  	s17 =	sld [smem:$0x3FFB];
	_ =	sdelay $0x3  }
0x98: {  	_ =	strace s17  }
0x99: {  	s3 =	sld [smem:$0x3FFC];
	_ =	sdelay $0x3  }
0x9a: {  	_ =	strace s3  }
0x9b: {  	s3 =	sld [smem:$0x3FFD];
	_ =	sdelay $0x3  }
0x9c: {  	_ =	strace s3  }
0x9d: {  	_ =	strace $0x8FFFFFFF  }
0x9e: {  	s18 =	sld [smem:$0x3FDB];
	_ =	sdelay $0x1  }
0x9f: {  	s19 =	simm.s32 $_scs_section_size  }
0xa0: {  	s5 =	simm.s32 $_size__tile_overlayer_lowered;
	s6 =	simm.s32 $_tile_overlayer_lowered  }
0xa1: {  	s22 =	simm.s32 $0x1BFF;
	s21 =	sshll.u32 s6, $0x1;
	s3 =	sadd.s32 s19, s18  }
0xa2: {  	s7 =	simm.s32 $0x0;
	s20 =	sshll.u32 s5, $0x1;
	s5 =	sadd.s32 s21, s3  }
0xa3: {  	[timem:s7], [sflag:s22] =	dma.local [hbm:s5], s20  }
0xa4: {  	_ =	swait.ge [sflag:s22], s20  }
0xa5: {  	s4 =	ssub.s32 $0x0, s20;
	[sflag:s22] =	ssyncset.done $0x0  }
0xa6: {  	[sflag:s22] =	ssyncadd.s32 s4;
	_ =	sdelay $0x1  }
0xa7: {  	s23 =	simm.s32 $0x1B8B  }
0xa8: {  	_ =	swait.ge [sflag:s23], $0x1  }
0xa9: {  	[sflag:s23] =	ssyncset.done $0x0  }
0xaa: {  	s25 =	simm.s32 $0x1B8E;
	s24 =	sld [smem:$0x3FFE];
	[sflag:s23] =	ssyncadd.s32 $0xFFFFFFFF  }
0xab: {  	s26 =	simm.s32 $execute0_lowered;
	[smem:$0x3FD2] =	sst s25  }
0xac: {  	s5 =	sshll.u32 s26, $0x1;
	_ =	strace $0x80000049;
	[dreg:$0x1] =	wrdreg $0xFFFFFFFF  }
0xad: {  	s28 =	simm.s32 $_size_execute0_lowered;
	s3 =	sadd.s32 s3, s5;
	[dreg:$0x0] =	wrdreg $0x0  }
0xae: {  	s5 =	sshll.u32 s28, $0x1;
	[dreg:$0x2] =	wrdreg s3  }
0xaf: {  	[dreg:$0x3] =	wrdreg s5  }
0xb0: {  	[dreg:$0x4] =	wrdreg $0xC0  }
0xb1: {  	_ =	task [dreg:s7], $0x5FFFF  }
0xb2: {  	[dreg:$0x1] =	wrdreg $0xFFFFFFFF  }
0xb3: {  	[dreg:$0x0] =	wrdreg $0x60  }
0xb4: {  	[dreg:$0x2] =	wrdreg s24  }
0xb5: {  	[dreg:$0x3] =	wrdreg s16  }
0xb6: {  	[dreg:$0x4] =	wrdreg $0x9  }
0xb7: {  	_ =	task.clear_ibuf [dreg:s7], $0x5FFFF;
	_ =	strace $0x90000049  }
0xb8: {  	s29 =	simm.s32 $0x9;
	_ =	strace $0x8000004B  }
0xb9: {  	_ =	swait.ge [sflag:s29], $0x1  }
0xba: {  	[sflag:s29] =	ssyncadd.s32 $0xFFFFFFFF  }
0xbb: {  	_ =	strace $0x9000004B  }
0xbc: {  	_ =	sfence  }
0xbd: {  	s30 =	sld [smem:$0x0];
	_ =	sdelay $0x2  }
0xbe: {  	s31 =	sshll.u32 s1, $0xD;
	s1 =	sshrl.u32 s1, $0x2  }
0xbf: {  	s3 =	sand.u32 $0x4000, s31;
	s1 =	sadd.s32 s1, s30  }
0xc0: {  	s0 =	sor.u32 s3, s0;
	s1 =	sshll.u32 s1, $0x11  }
0xc1: {  	s0 =	sor.u32 s1, s0  }
0xc2: {  	s0 =	sadd.s32 $0x8F2B, s0  }
0xc3: {  	[sflag:s0] =	ssyncadd.remote.s32 $0x1  }
0xc4: {  	_ =	sfence.sel $0xFFFF  }
0xc5: {  	[dreg:$0x0] =	wrdreg $0xFFFFFFFF;
	(pc) =	sbr.abs _section_cstart, $3  }
0xc6: {  	[dreg:$0x1] =	wrdreg $0xFFFFFFFF  }
0xc7: {  	_ =	task.clear_ibuf [dreg:s7], $0x2FFFF;
	_ =	strace $0x9FFFFFFF  }
0xc8: {  	(tm) =	ssettm $0x7FFFFFFF  }
0xc9: {  	_ =	shalt  }
tec
execute0_lowered:
.L_overlay_start_1:
0x0: {  	(tag) =	ssettag $0x1  }
0x1: {  	s7 =	rddreg [dreg:$0x0]  }
0x2: {  	s2 =	rddreg [dreg:$0x1]  }
0x3: {  	s0 =	rddreg [dreg:$0x2]  }
0x4: {  	s1 =	srdreg.scid;
	_ =	strace $0x8000004A;
	s4 =	simm.s32 $0x1  }
0x5: {  	s9 =	simm.s32 $0x3;
	s12 =	simm.s32 $0x0;
	s5 =	sshll.u32 s1, $0x4  }
.Ltmp0:
0x6: {  	s1 =	stileid.u32;
	s5 =	sand.u32 $0x10, s5;
	(pc) =	sbr.rel .LBB2_1-.Ltmp0, $4  }
0x7: {  	s10 =	simm.s32 $0x0;
	s3 =	sadd.s32 $0x56800, s7;
	s6 =	sor.u32 s1, s5  }
0x8: {  	[sflag:s4] =	ssyncpa.u1 $0x0;
	s5 =	simm.s32 $0x2;
	s6 =	sshll.u32 s6, $0x7  }
0x9: {  	s7 =	sadd.s32 $0x5400, s7;
	[sflag:s5] =	ssyncpa.u1 $0x0;
	s8 =	sadd.s32 $0x80, s6  }
0xa: {  	vm0 =	vmmov $0xff;
	vm1 =	vcmask $0x3F20;
	[sflag:s9] =	ssyncpa.u1 $0x0;
	s9 =	simm.s32 $0x80;
	s11 =	smov.u32 s6  }
.LBB2_9:
0xb: {  	p0 =	seq.s32 s10, $0x2  }
.Ltmp1:
0xc: {  	_ = 	snop;
	(pc) =	sbr.rel @p0 .LBB2_11-.Ltmp1, $1  }
0xd: {  	_ =	sdelay $0x3  }
.LBB2_10:
0xe: {  	s12 =	sadd.s32 $0x80, s11  }
0xf: {  	s13 =	smov.u32 s6;
	p0 =	slt.s32 s12, s8  }
0x10: {  	s13 =	smov.u32 @p0 s12  }
0x11: {  	s10 =	sadd.s32 $0x1, s10;
	s12 =	smov.u32 s11;
	s11 =	smov.u32 s13  }
.LBB2_1:
0x12: {  	p0 =	sne.s32 s10, $0x0  }
.Ltmp2:
0x13: {  	_ = 	snop;
	(pc) =	sbr.rel @!p0 .LBB2_2-.Ltmp2, $1  }
0x14: {  	_ =	sdelay $0x3  }
0x15: {  	s13 =	sand.u32 $0x1, s10  }
0x16: {  	p0 =	seq.s32 s13, $0x0  }
.Ltmp3:
0x17: {  	_ = 	snop;
	(pc) =	sbr.rel @p0 .LBB2_9-.Ltmp3, $1  }
0x18: {  	_ =	sdelay $0x3  }
0x19: {  	_ =	swait.ge [sflag:s5], $0x80  }
0x1a: {  	[sflag:s5] =	ssyncset.done $0x0  }
0x1b: {  	s13 =	simm.s32 $0x0;
	[sflag:s5] =	ssyncadd.s32 $0xFFFFFF80  }
0x1c: {  	v0 =	vld.msk [tilespmem:s13+$0x80 ss:$0x1], $0xffff;
	_ =	sdelay $0x4  }
0x1d: {  	v1 =	vshll.u32 v0, $0x5  }
0x1e: {  	vm2 =	veq.s32 v0, $0x80000000;
	v0 =	vshll.u32 v0, $0x13;
	v1 =	vand.u32 $0x7FF80, v1  }
0x1f: {  	v0 =	vand.u32 $0x180000, v0;
	v1 =	vsel vm2, $0xFFFFFF80, v1  }
0x20: {  	v0 =	vsel vm2, $0xFFF80000, v0;
	v2 =	vand.u32 $0xFFFFFC00, v1  }
0x21: {  	v1 =	vand.u32 $0x380, v1;
	v0 =	vadd.s32 v0, v2  }
0x22: {  	v0 =	vor.u32 v1, v0  }
0x23: {  	v0 =	vshrl.u32 v0, $0x3;
	_ =	sdelay $0x3  }
0x24: {  	s13 =	simm.s32 $0x4100  }
0x25: {  	[tilespmem:s13], [sflag:$0x1] =	stream.indirect_vreg.gather [hbm:s3], $0x80, v0, vm0, $0x38;
	[tilespmem:$0x8100] =	vst v63  }
0x26: {  	s14 =	simm.s32 $0x4500;
	s31 =	simm.s32 $0x10  }
0x27: {  	[tilespmem:s14], [sflag:$0x1] =	stream.indirect_vreg.gather [hbm:s3], $0x80, v0, vm1, $0x38;
	[tilespmem:$0x8100] =	vst v63  }
0x28: {  	s14 =	simm.s32 $0x80;
	v0 =	vld.msk [tilespmem:s31+$0x80 ss:$0x1], $0xffff  }
.LBB2_5:
0x29: {  	p0 =	sne.s32 s14, $0x1C0;
	_ =	sdelay $0x4  }
0x2a: {  	v1 =	vshll.u32 v0, $0x5  }
0x2b: {  	vm2 =	veq.s32 v0, $0x80000000;
	v0 =	vshll.u32 v0, $0x13;
	v1 =	vand.u32 $0x7FF80, v1  }
0x2c: {  	v0 =	vand.u32 $0x180000, v0;
	v1 =	vsel vm2, $0xFFFFFF80, v1  }
0x2d: {  	v0 =	vsel vm2, $0xFFF80000, v0;
	v2 =	vand.u32 $0xFFFFFC00, v1  }
0x2e: {  	v1 =	vand.u32 $0x380, v1;
	v0 =	vadd.s32 v0, v2  }
0x2f: {  	v0 =	vor.u32 v1, v0  }
0x30: {  	v0 =	vshrl.u32 v0, $0x3;
	_ =	sdelay $0x3  }
.Ltmp4:
0x31: {  	s13 =	sadd.s32 $0x800, s13;
	(pc) =	sbr.rel @p0 .LBB2_5-.Ltmp4, $4  }
0x32: {  	[tilespmem:s13], [sflag:$0x1] =	stream.indirect_vreg.gather [hbm:s3], $0x80, v0, vm0, $0x38;
	[tilespmem:$0x8100] =	vst v63  }
0x33: {  	s15 =	sshra.s32 s14, $0x2;
	s16 =	sadd.s32 $0x400, s13  }
0x34: {  	[tilespmem:s16], [sflag:$0x1] =	stream.indirect_vreg.gather [hbm:s3], $0x80, v0, vm1, $0x38;
	[tilespmem:$0x8100] =	vst v63  }
0x35: {  	s14 =	sadd.s32 $0x40, s14;
	v0 =	vld.msk [tilespmem:s15+$0x80 ss:$0x1], $0xffff  }
0x36: {  	_ =	sdelay $0x3  }
0x37: {  	v1 =	vshll.u32 v0, $0x5  }
0x38: {  	vm2 =	veq.s32 v0, $0x80000000;
	v63 =	vshll.u32 v0, $0x13;
	v1 =	vand.u32 $0x7FF80, v1  }
0x39: {  	v0 =	vand.u32 $0x180000, v63;
	v1 =	vsel vm2, $0xFFFFFF80, v1  }
0x3a: {  	v0 =	vsel vm2, $0xFFF80000, v0;
	v2 =	vand.u32 $0xFFFFFC00, v1  }
0x3b: {  	v1 =	vand.u32 $0x380, v1;
	v0 =	vadd.s32 v0, v2  }
0x3c: {  	v0 =	vor.u32 v1, v0  }
0x3d: {  	v0 =	vshrl.u32 v0, $0x3;
	_ =	sdelay $0x3  }
0x3e: {  	s13 =	sadd.s32 $0x800, s13  }
0x3f: {  	[tilespmem:s13], [sflag:$0x1] =	stream.indirect_vreg.gather [hbm:s3], $0x80, v0, vm0, $0x38;
	[tilespmem:$0x8100] =	vst v63  }
0x40: {  	s13 =	sadd.s32 $0x400, s13  }
0x41: {  	[tilespmem:s13], [sflag:$0x1] =	stream.indirect_vreg.gather [hbm:s3], $0x80, v0, vm1, $0x38;
	[tilespmem:$0x8100] =	vst v63  }
0x42: {  	s12 =	sshll.u32 s12, $0x4;
	s14 =	simm.s32 $0x80;
	_ =	swait.ge [sflag:s4], $0x4000  }
0x43: {  	s15 =	simm.s32 $0x4500;
	s12 =	sadd.s32 s12, s2;
	[sflag:s4] =	ssyncset.done $0x0  }
0x44: {  	s16 =	sadd.s32 $0x0, s12;
	s13 =	simm.s32 $0x4100;
	[sflag:s4] =	ssyncadd.s32 $0xFFFFC000  }
.LBB2_7:
0x45: {  	[hbm:s16] =	stream.linear.scatter [tilespmem:s13], [sflag:$0x3], $0x400, $0x38;
	[tilespmem:$0x8100] =	vst v63  }
0x46: {  	s16 =	smov.u32 s14;
	s13 =	smov.u32 s15;
	p0 =	sne.s32 s14, $0x780  }
.Ltmp5:
0x47: {  	s14 =	sadd.s32 $0x80, s14;
	(pc) =	sbr.rel @p0 .LBB2_7-.Ltmp5, $2  }
0x48: {  	_ =	sdelay $0x2  }
0x49: {  	s15 =	sadd.s32 $0x400, s15;
	s16 =	sadd.s32 s16, s12  }
.Ltmp6:
0x4a: {  	(pc) =	sbr.rel .LBB2_9-.Ltmp6, $2  }
0x4b: {  	_ =	sdelay $0x2  }
0x4c: {  	[hbm:s16] =	stream.linear.scatter [tilespmem:s13], [sflag:$0x3], $0x400, $0x38;
	[tilespmem:$0x8100] =	vst v63  }
.LBB2_2:
.Ltmp7:
0x4d: {  	(pc) =	sbr.rel .LBB2_10-.Ltmp7, $4  }
0x4e: {  	_ = 	snop  }
0x4f: {  	s12 =	sshrl.u32 s11, $0x3  }
0x50: {  	s13 =	sand.u32 $0x7, s11;
	s12 =	sadd.s32 s7, s12  }
0x51: {  	[tilespmem:s9], [sflag:$0x2] =	stream.linear.gather [hbm4b:s12+s13], $0x80, $0x38;
	[tilespmem:$0x8100] =	vst v63  }
.LBB2_11:
0x52: {  	s2 =	simm.s32 $0x3  }
0x53: {  	_ =	swait.ge [sflag:s2], $0x4000  }
0x54: {  	[sflag:s2] =	ssyncset.done $0x0  }
0x55: {  	[sflag:s2] =	ssyncadd.s32 $0xFFFFC000  }
0x56: {  	_ =	sfence.sel $0x180000  }
0x57: {  	s3 =	simm.s32 $0x2;
	[bflag:$0x0] =	sbarrier.arrive $0xFFFF  }
0x58: {  	[sflag:s3] =	ssyncpa.u1 $0x1  }
0x59: {  	s31 =	simm.s32 $0x1;
	[sflag:s2] =	ssyncpa.u1 $0x1  }
0x5a: {  	[sflag:s31] =	ssyncpa.u1 $0x1  }
0x5b: {  	p0 =	sne.s32 s1, $0x0;
	_ =	strace $0x9000004A  }
0x5c: {  	s0 =	sadd.s32 @!p0 $0x100000, s0;
	[bflag:$0x2] =	sbarrier.arrive $0xFFFF  }
0x5d: {  	[sflag:s0] =	ssyncadd.tile.s32 @!p0 $0x1;
	_ =	shalt  }
.Lfunc_end2:
_tile_overlayer_lowered:
.L_overlay_start_2:
0x5e: {  	(tag) =	ssettag $0x2  }
0x5f: {  	s0 =	rddreg [dreg:$0x0];
	s2 =	stileid.u32  }
0x60: {  	s1 =	rddreg [dreg:$0x1];
	p0 =	sne.s32 s2, $0x0  }
0x61: {  	s3 =	rddreg [dreg:$0x2];
	[bflag:$0x3] =	sbarrier.arrive $0xFFFF;
	s2 =	simm.s32 @!p0 $0x1C01  }
0x62: {  	[timem:s3], [sflag:s2] =	dma.local @!p0 [hbm:s0], s1  }
0x63: {  	s0 =	simm.s32 @!p0 $0x1  }
0x64: {  	_ =	swait.ge @!p0 [sflag:s0], s1  }
0x65: {  	s1 =	ssub.s32 @!p0 $0x0, s1;
	[sflag:s0] =	ssyncset.done @!p0 $0x0  }
0x66: {  	[sflag:s0] =	ssyncadd.s32 @!p0 s1  }
0x67: {  	[bflag:$0x3] =	sbarrier.arrive $0xFFFF  }
0x68: {  	_ =	shalt  }

// kernel: gather_offload_async_start
scs
__scs_entry_jumppad:
0x0: {  	(pc) =	sbr.rel $0x88, $3  }
0x1: {  	(tag) =	ssettag $0x0;
	lr =	simm.s32 $0x1  }
0x2: {  	[smem:$0x3F92] =	sst lr;
	_ =	strace $0xD0000000  }
0x3: {  	_ = 	snop  }
0x4: {  	_ = 	snop  }
0x5: {  	_ = 	snop  }
0x6: {  	_ = 	snop  }
0x7: {  	_ = 	snop  }
__scs_overlays_trampoline_lowered:
0x8: {  	[smem:$0x3FA1] =	sst s0  }
0x9: {  	[smem:$0x3FA2] =	sst s1  }
0xa: {  	[smem:$0x3FA3] =	sst s2  }
0xb: {  	[smem:$0x3FA4] =	sst s3  }
0xc: {  	[smem:$0x3FA5] =	sst s4  }
0xd: {  	[smem:$0x3FA6] =	sst s5  }
0xe: {  	[smem:$0x3FA7] =	sst s6  }
0xf: {  	[smem:$0x3FA8] =	sst s7  }
0x10: {  	[smem:$0x3FA9] =	sst s8  }
0x11: {  	[smem:$0x3FAA] =	sst s9;
	s0 =	simm.s32 @!p0 $0x0  }
0x12: {  	s1 =	sld [smem:$0x3F90];
	s0 =	simm.s32 @p0 $0x1  }
0x13: {  	[smem:$0x3FAB] =	sst s0;
	s0 =	simm.s32 @!p1 $0x0  }
0x14: {  	s2 =	sld [smem:$0x3F8F];
	s0 =	simm.s32 @p1 $0x1  }
0x15: {  	[smem:$0x3FAC] =	sst s0;
	s0 =	simm.s32 @!p2 $0x0  }
0x16: {  	s3 =	sld [smem:$0x3FDB];
	s0 =	simm.s32 @p2 $0x1  }
0x17: {  	s4 =	simm.s32 $0x1BF5;
	[smem:$0x3FAE] =	sst s0  }
0x18: {  	s0 =	sld [smem:$0x3F91];
	_ =	swait.ge [sflag:s4], $0x0  }
0x19: {  	s7 =	sld [smem:$0x3F92]  }
0x1a: {  	s8 =	sadd.s32 $0xFFFFE003, lr  }
0x1b: {  	s9 =	sadd.s32 $0xFFFFFEF7, lr;
	s5 =	simm.s32 $0xFFFFFFFF;
	p2 =	slt.u32 s8, $0xFFFFF086  }
0x1c: {  	p1 =	slt.u32 s9, $0xF7A;
	s5 =	simm.s32 @!p2 $0x0  }
0x1d: {  	s5 =	simm.s32 @p1 $0x1;
	p0 =	seq.s32 s7, s2  }
0x1e: {  	s7 =	smul.u32 @!p0 $0xF7A, s2;
	p2 =	seq.s32 @!p0 s5, $0x0  }
0x1f: {  	s9 =	smul.u32 $0xF7A, s1;
	s8 =	simm.s32 @!p0 $0x1BF5;
	p2 =	por !p2, p0  }
0x20: {  	[sflag:s8] =	ssyncset.s32 @!p0 $0xFFFFF086;
	s6 =	sadd.s32 @!p0 s3, s7;
	s7 =	simm.s32 @!p0 $0x108  }
0x21: {  	s3 =	sadd.s32 s3, s9;
	s6 =	sadd.s32 @!p0 $0x88, s6;
	s7 =	simm.s32 @p2 $0x1082  }
0x22: {  	[simem:s7], [sflag:s8] =	dma.local @!p0 [hbm:s6], $0xF7A  }
0x23: {  	s9 =	sor.u32 $0xD0000000, s2;
	s6 =	simm.s32 $0x108;
	_ =	swait.ge @!p0 [sflag:s8], $0x0  }
0x24: {  	s3 =	sadd.s32 $0x88, s3;
	s6 =	simm.s32 @!p1 $0x1082;
	[sflag:s4] =	ssyncset.s32 $0xFFFFF086  }
0x25: {  	[simem:s6], [sflag:s4] =	dma.local [hbm:s3], $0xF7A  }
0x26: {  	[smem:$0x3F92] =	sst s1;
	(tag) =	ssettag s2;
	_ =	strace s9  }
0x27: {  	s1 =	sld [smem:$0x3FA2]  }
0x28: {  	s2 =	sld [smem:$0x3FA3]  }
0x29: {  	s4 =	sld [smem:$0x3FA5]  }
0x2a: {  	p0 =	seq.s32 s5, $0x0;
	s5 =	sld [smem:$0x3FA6]  }
0x2b: {  	s6 =	sld [smem:$0x3FA7]  }
0x2c: {  	s7 =	sld [smem:$0x3FA8]  }
0x2d: {  	s3 =	simm.s32 $0x108;
	s8 =	sld [smem:$0x3FA9]  }
0x2e: {  	s3 =	simm.s32 @!p0 $0x1082;
	s9 =	sld [smem:$0x3FAA]  }
0x2f: {  	lr =	sadd.s32 s0, s3;
	s0 =	sld [smem:$0x3FA1]  }
0x30: {  	s3 =	sld [smem:$0x3FA4]  }
0x31: {  	[smem:$0x3FAD] =	sst s10  }
0x32: {  	s10 =	sld [smem:$0x3FAB];
	_ =	sdelay $0x3  }
0x33: {  	p0 =	seq.s32 s10, $0x1;
	s10 =	sld [smem:$0x3FAD];
	_ =	sdelay $0x3  }
0x34: {  	[smem:$0x3FAD] =	sst s10  }
0x35: {  	s10 =	sld [smem:$0x3FAC];
	_ =	sdelay $0x3  }
0x36: {  	p1 =	seq.s32 s10, $0x1;
	s10 =	sld [smem:$0x3FAD];
	_ =	sdelay $0x3  }
0x37: {  	[smem:$0x3FAD] =	sst s10  }
0x38: {  	s10 =	sld [smem:$0x3FAE]  }
0x39: {  	_ = 	snop;
	(pc) =	sbr.ind lr, $3  }
0x3a: {  	_ = 	snop  }
0x3b: {  	_ = 	snop  }
0x3c: {  	p2 =	seq.s32 s10, $0x1;
	s10 =	sld [smem:$0x3FAD]  }
0x3d: {  	_ =	shalt  }
0x3e: {  	_ =	shalt  }
0x3f: {  	_ =	shalt  }
0x40: {  	_ =	shalt  }
0x41: {  	_ =	shalt  }
0x42: {  	_ =	shalt  }
0x43: {  	_ =	shalt  }
0x44: {  	_ =	shalt  }
0x45: {  	_ =	shalt  }
0x46: {  	_ =	shalt  }
0x47: {  	_ =	shalt  }
0x48: {  	_ =	shalt  }
0x49: {  	_ =	shalt  }
0x4a: {  	_ =	shalt  }
0x4b: {  	_ =	shalt  }
0x4c: {  	_ =	shalt  }
0x4d: {  	_ =	shalt  }
0x4e: {  	_ =	shalt  }
0x4f: {  	_ =	shalt  }
0x50: {  	_ =	shalt  }
0x51: {  	_ =	shalt  }
0x52: {  	_ =	shalt  }
0x53: {  	_ =	shalt  }
0x54: {  	_ =	shalt  }
0x55: {  	_ =	shalt  }
0x56: {  	_ =	shalt  }
0x57: {  	_ =	shalt  }
0x58: {  	_ =	shalt  }
0x59: {  	_ =	shalt  }
0x5a: {  	_ =	shalt  }
0x5b: {  	_ =	shalt  }
0x5c: {  	_ =	shalt  }
0x5d: {  	_ =	shalt  }
0x5e: {  	_ =	shalt  }
0x5f: {  	_ =	shalt  }
0x60: {  	_ =	shalt  }
0x61: {  	_ =	shalt  }
0x62: {  	_ =	shalt  }
0x63: {  	_ =	shalt  }
0x64: {  	_ =	shalt  }
0x65: {  	_ =	shalt  }
0x66: {  	_ =	shalt  }
0x67: {  	_ =	shalt  }
0x68: {  	_ =	shalt  }
0x69: {  	_ =	shalt  }
0x6a: {  	_ =	shalt  }
0x6b: {  	_ =	shalt  }
0x6c: {  	_ =	shalt  }
0x6d: {  	_ =	shalt  }
0x6e: {  	_ =	shalt  }
0x6f: {  	_ =	shalt  }
0x70: {  	_ =	shalt  }
0x71: {  	_ =	shalt  }
0x72: {  	_ =	shalt  }
0x73: {  	_ =	shalt  }
0x74: {  	_ =	shalt  }
0x75: {  	_ =	shalt  }
0x76: {  	_ =	shalt  }
0x77: {  	_ =	shalt  }
0x78: {  	_ =	shalt  }
0x79: {  	_ =	shalt  }
0x7a: {  	_ =	shalt  }
0x7b: {  	_ =	shalt  }
0x7c: {  	_ =	shalt  }
0x7d: {  	_ =	shalt  }
0x7e: {  	_ =	shalt  }
0x7f: {  	_ =	shalt  }
0x80: {  	_ =	shalt  }
0x81: {  	_ =	shalt  }
0x82: {  	_ =	shalt  }
0x83: {  	_ =	shalt  }
0x84: {  	_ =	shalt  }
0x85: {  	_ =	shalt  }
0x86: {  	_ =	shalt  }
0x87: {  	_ =	shalt  }
.Lfunc_end0:
.L_simem_size_0:
called_computation_lowered:
.L_overlay_start_0:
0x88: {  	s2 =	sld [smem:$0x3FD9]  }
0x89: {  	s3 =	sld [smem:$0x3FFE];
	_ =	sdelay $0x1  }
0x8a: {  	s1 =	srdreg.scid  }
0x8b: {  	s0 =	sand.u32 $0x1, s1  }
0x8c: {  	s16 =	sshll.u32 s0, $0xA;
	s2 =	sadd.s32 s3, s2  }
0x8d: {  	s2 =	sadd.s32 s2, s16  }
0x8e: {  	[smem:$0x3FB9] =	sst s2  }
0x8f: {  	_ = 	snop  }
0x90: {  	(tm) =	ssettm $0x1  }
0x91: {  	s17 =	sld [smem:$0x3FFB];
	_ =	sdelay $0x3  }
0x92: {  	_ =	strace s17  }
0x93: {  	s2 =	sld [smem:$0x3FFC];
	_ =	sdelay $0x3  }
0x94: {  	_ =	strace s2  }
0x95: {  	s2 =	sld [smem:$0x3FFD];
	_ =	sdelay $0x3  }
0x96: {  	_ =	strace s2  }
0x97: {  	_ =	strace $0x8FFFFFFF  }
0x98: {  	s18 =	sld [smem:$0x3FDB];
	_ =	sdelay $0x1  }
0x99: {  	s19 =	simm.s32 $_scs_section_size  }
0x9a: {  	s4 =	simm.s32 $_size__tile_overlayer_lowered;
	s5 =	simm.s32 $_tile_overlayer_lowered  }
0x9b: {  	s22 =	simm.s32 $0x1BFF;
	s21 =	sshll.u32 s5, $0x1;
	s2 =	sadd.s32 s19, s18  }
0x9c: {  	s6 =	simm.s32 $0x0;
	s20 =	sshll.u32 s4, $0x1;
	s4 =	sadd.s32 s21, s2  }
0x9d: {  	[timem:s6], [sflag:s22] =	dma.local [hbm:s4], s20  }
0x9e: {  	_ =	swait.ge [sflag:s22], s20  }
0x9f: {  	s3 =	ssub.s32 $0x0, s20;
	[sflag:s22] =	ssyncset.done $0x0  }
0xa0: {  	[sflag:s22] =	ssyncadd.s32 s3;
	_ =	sdelay $0x1  }
0xa1: {  	s23 =	simm.s32 $0x1B8B  }
0xa2: {  	_ =	swait.ge [sflag:s23], $0x1  }
0xa3: {  	[sflag:s23] =	ssyncset.done $0x0  }
0xa4: {  	s25 =	simm.s32 $0x1B8E;
	s24 =	sld [smem:$0x3FFE];
	[sflag:s23] =	ssyncadd.s32 $0xFFFFFFFF  }
0xa5: {  	s26 =	simm.s32 $execute0_lowered;
	[smem:$0x3FD2] =	sst s25  }
0xa6: {  	s4 =	sshll.u32 s26, $0x1;
	_ =	strace $0x80000046;
	[dreg:$0x1] =	wrdreg $0xFFFFFFFF  }
0xa7: {  	s28 =	simm.s32 $_size_execute0_lowered;
	s2 =	sadd.s32 s2, s4;
	[dreg:$0x0] =	wrdreg $0x0  }
0xa8: {  	s4 =	sshll.u32 s28, $0x1;
	[dreg:$0x2] =	wrdreg s2  }
0xa9: {  	[dreg:$0x3] =	wrdreg s4  }
0xaa: {  	[dreg:$0x4] =	wrdreg $0xC0  }
0xab: {  	_ =	task [dreg:s6], $0x5FFFF  }
0xac: {  	[dreg:$0x1] =	wrdreg $0xFFFFFFFF  }
0xad: {  	[dreg:$0x0] =	wrdreg $0x60  }
0xae: {  	[dreg:$0x2] =	wrdreg s24  }
0xaf: {  	[dreg:$0x3] =	wrdreg $0x9  }
0xb0: {  	_ =	task.clear_ibuf [dreg:s6], $0x4FFFF;
	_ =	strace $0x90000046  }
0xb1: {  	s29 =	simm.s32 $0x9;
	_ =	strace $0x80000048  }
0xb2: {  	_ =	swait.ge [sflag:s29], $0x1  }
0xb3: {  	[sflag:s29] =	ssyncadd.s32 $0xFFFFFFFF  }
0xb4: {  	_ =	strace $0x90000048  }
0xb5: {  	_ =	sfence  }
0xb6: {  	s30 =	sld [smem:$0x0];
	_ =	sdelay $0x2  }
0xb7: {  	s31 =	sshll.u32 s1, $0xD;
	s1 =	sshrl.u32 s1, $0x2  }
0xb8: {  	s3 =	sand.u32 $0x4000, s31;
	s1 =	sadd.s32 s1, s30  }
0xb9: {  	s0 =	sor.u32 s3, s0;
	s1 =	sshll.u32 s1, $0x11  }
0xba: {  	s0 =	sor.u32 s1, s0  }
0xbb: {  	s0 =	sadd.s32 $0x8F2B, s0  }
0xbc: {  	[sflag:s0] =	ssyncadd.remote.s32 $0x1  }
0xbd: {  	_ =	sfence.sel $0xFFFF  }
0xbe: {  	[dreg:$0x0] =	wrdreg $0xFFFFFFFF;
	(pc) =	sbr.abs _section_cstart, $3  }
0xbf: {  	[dreg:$0x1] =	wrdreg $0xFFFFFFFF  }
0xc0: {  	_ =	task.clear_ibuf [dreg:s6], $0x2FFFF;
	_ =	strace $0x9FFFFFFF  }
0xc1: {  	(tm) =	ssettm $0x7FFFFFFF  }
tec
execute0_lowered:
.L_overlay_start_1:
0x0: {  	(tag) =	ssettag $0x1  }
0x1: {  	s7 =	rddreg [dreg:$0x0]  }
0x2: {  	s0 =	rddreg [dreg:$0x1];
	_ =	strace $0x80000047  }
0x3: {  	s1 =	srdreg.scid;
	s4 =	simm.s32 $0x1;
	s9 =	simm.s32 $0x3  }
0x4: {  	s12 =	simm.s32 $0x0;
	s10 =	simm.s32 $0x0;
	s5 =	sshll.u32 s1, $0x4  }
.Ltmp0:
0x5: {  	s1 =	stileid.u32;
	s5 =	sand.u32 $0x10, s5;
	(pc) =	sbr.rel .LBB2_1-.Ltmp0, $4  }
0x6: {  	s2 =	sadd.s32 $0x5600, s7;
	s3 =	sadd.s32 $0x5400, s7;
	s6 =	sor.u32 s1, s5  }
0x7: {  	[sflag:s4] =	ssyncpa.u1 $0x0;
	s5 =	simm.s32 $0x2;
	s6 =	sshll.u32 s6, $0x7  }
0x8: {  	s7 =	sadd.s32 $0x46800, s7;
	[sflag:s5] =	ssyncpa.u1 $0x0;
	s8 =	sadd.s32 $0x80, s6  }
0x9: {  	vm0 =	vmmov $0xff;
	vm1 =	vcmask $0x3F20;
	[sflag:s9] =	ssyncpa.u1 $0x0;
	s9 =	simm.s32 $0x80;
	s11 =	smov.u32 s6  }
.LBB2_9:
0xa: {  	p0 =	seq.s32 s10, $0x2  }
.Ltmp1:
0xb: {  	_ = 	snop;
	(pc) =	sbr.rel @p0 .LBB2_11-.Ltmp1, $1  }
0xc: {  	_ =	sdelay $0x3  }
.LBB2_10:
0xd: {  	s12 =	sadd.s32 $0x80, s11  }
0xe: {  	s13 =	smov.u32 s6;
	p0 =	slt.s32 s12, s8  }
0xf: {  	s13 =	smov.u32 @p0 s12  }
0x10: {  	s10 =	sadd.s32 $0x1, s10;
	s12 =	smov.u32 s11;
	s11 =	smov.u32 s13  }
.LBB2_1:
0x11: {  	p0 =	sne.s32 s10, $0x0  }
.Ltmp2:
0x12: {  	_ = 	snop;
	(pc) =	sbr.rel @!p0 .LBB2_2-.Ltmp2, $1  }
0x13: {  	_ =	sdelay $0x3  }
0x14: {  	s13 =	sand.u32 $0x1, s10  }
0x15: {  	p0 =	seq.s32 s13, $0x0  }
.Ltmp3:
0x16: {  	_ = 	snop;
	(pc) =	sbr.rel @p0 .LBB2_9-.Ltmp3, $1  }
0x17: {  	_ =	sdelay $0x3  }
0x18: {  	_ =	swait.ge [sflag:s5], $0x80  }
0x19: {  	[sflag:s5] =	ssyncset.done $0x0  }
0x1a: {  	s13 =	simm.s32 $0x0;
	[sflag:s5] =	ssyncadd.s32 $0xFFFFFF80  }
0x1b: {  	v0 =	vld.msk [tilespmem:s13+$0x80 ss:$0x1], $0xffff;
	_ =	sdelay $0x4  }
0x1c: {  	v1 =	vshll.u32 v0, $0x5  }
0x1d: {  	vm2 =	veq.s32 v0, $0x80000000;
	v0 =	vshll.u32 v0, $0x13;
	v1 =	vand.u32 $0x7FF80, v1  }
0x1e: {  	v0 =	vand.u32 $0x180000, v0;
	v1 =	vsel vm2, $0xFFFFFF80, v1  }
0x1f: {  	v0 =	vsel vm2, $0xFFF80000, v0;
	v2 =	vand.u32 $0xFFFFFC00, v1  }
0x20: {  	v1 =	vand.u32 $0x380, v1;
	v0 =	vadd.s32 v0, v2  }
0x21: {  	v0 =	vor.u32 v1, v0  }
0x22: {  	v0 =	vshrl.u32 v0, $0x3;
	_ =	sdelay $0x3  }
0x23: {  	s13 =	simm.s32 $0x4100  }
0x24: {  	[tilespmem:s13], [sflag:$0x1] =	stream.indirect_vreg.gather [hbm:s2], $0x80, v0, vm0, $0x38;
	[tilespmem:$0x8100] =	vst v63  }
0x25: {  	s14 =	simm.s32 $0x4500;
	s31 =	simm.s32 $0x10  }
0x26: {  	[tilespmem:s14], [sflag:$0x1] =	stream.indirect_vreg.gather [hbm:s2], $0x80, v0, vm1, $0x38;
	[tilespmem:$0x8100] =	vst v63  }
0x27: {  	s14 =	simm.s32 $0x80;
	v0 =	vld.msk [tilespmem:s31+$0x80 ss:$0x1], $0xffff  }
.LBB2_5:
0x28: {  	p0 =	sne.s32 s14, $0x1C0;
	_ =	sdelay $0x4  }
0x29: {  	v1 =	vshll.u32 v0, $0x5  }
0x2a: {  	vm2 =	veq.s32 v0, $0x80000000;
	v0 =	vshll.u32 v0, $0x13;
	v1 =	vand.u32 $0x7FF80, v1  }
0x2b: {  	v0 =	vand.u32 $0x180000, v0;
	v1 =	vsel vm2, $0xFFFFFF80, v1  }
0x2c: {  	v0 =	vsel vm2, $0xFFF80000, v0;
	v2 =	vand.u32 $0xFFFFFC00, v1  }
0x2d: {  	v1 =	vand.u32 $0x380, v1;
	v0 =	vadd.s32 v0, v2  }
0x2e: {  	v0 =	vor.u32 v1, v0  }
0x2f: {  	v0 =	vshrl.u32 v0, $0x3;
	_ =	sdelay $0x3  }
.Ltmp4:
0x30: {  	s13 =	sadd.s32 $0x800, s13;
	(pc) =	sbr.rel @p0 .LBB2_5-.Ltmp4, $4  }
0x31: {  	[tilespmem:s13], [sflag:$0x1] =	stream.indirect_vreg.gather [hbm:s2], $0x80, v0, vm0, $0x38;
	[tilespmem:$0x8100] =	vst v63  }
0x32: {  	s15 =	sshra.s32 s14, $0x2;
	s16 =	sadd.s32 $0x400, s13  }
0x33: {  	[tilespmem:s16], [sflag:$0x1] =	stream.indirect_vreg.gather [hbm:s2], $0x80, v0, vm1, $0x38;
	[tilespmem:$0x8100] =	vst v63  }
0x34: {  	s14 =	sadd.s32 $0x40, s14;
	v0 =	vld.msk [tilespmem:s15+$0x80 ss:$0x1], $0xffff  }
0x35: {  	_ =	sdelay $0x3  }
0x36: {  	v1 =	vshll.u32 v0, $0x5  }
0x37: {  	vm2 =	veq.s32 v0, $0x80000000;
	v63 =	vshll.u32 v0, $0x13;
	v1 =	vand.u32 $0x7FF80, v1  }
0x38: {  	v0 =	vand.u32 $0x180000, v63;
	v1 =	vsel vm2, $0xFFFFFF80, v1  }
0x39: {  	v0 =	vsel vm2, $0xFFF80000, v0;
	v2 =	vand.u32 $0xFFFFFC00, v1  }
0x3a: {  	v1 =	vand.u32 $0x380, v1;
	v0 =	vadd.s32 v0, v2  }
0x3b: {  	v0 =	vor.u32 v1, v0  }
0x3c: {  	v0 =	vshrl.u32 v0, $0x3;
	_ =	sdelay $0x3  }
0x3d: {  	s13 =	sadd.s32 $0x800, s13  }
0x3e: {  	[tilespmem:s13], [sflag:$0x1] =	stream.indirect_vreg.gather [hbm:s2], $0x80, v0, vm0, $0x38;
	[tilespmem:$0x8100] =	vst v63  }
0x3f: {  	s13 =	sadd.s32 $0x400, s13  }
0x40: {  	[tilespmem:s13], [sflag:$0x1] =	stream.indirect_vreg.gather [hbm:s2], $0x80, v0, vm1, $0x38;
	[tilespmem:$0x8100] =	vst v63  }
0x41: {  	s12 =	sshll.u32 s12, $0x4;
	s14 =	simm.s32 $0x80;
	_ =	swait.ge [sflag:s4], $0x4000  }
0x42: {  	s15 =	simm.s32 $0x4500;
	s12 =	sadd.s32 s12, s7;
	[sflag:s4] =	ssyncset.done $0x0  }
0x43: {  	s16 =	sadd.s32 $0x0, s12;
	s13 =	simm.s32 $0x4100;
	[sflag:s4] =	ssyncadd.s32 $0xFFFFC000  }
.LBB2_7:
0x44: {  	[hbm:s16] =	stream.linear.scatter [tilespmem:s13], [sflag:$0x3], $0x400, $0x38;
	[tilespmem:$0x8100] =	vst v63  }
0x45: {  	s16 =	smov.u32 s14;
	s13 =	smov.u32 s15;
	p0 =	sne.s32 s14, $0x780  }
.Ltmp5:
0x46: {  	s14 =	sadd.s32 $0x80, s14;
	(pc) =	sbr.rel @p0 .LBB2_7-.Ltmp5, $2  }
0x47: {  	_ =	sdelay $0x2  }
0x48: {  	s15 =	sadd.s32 $0x400, s15;
	s16 =	sadd.s32 s16, s12  }
.Ltmp6:
0x49: {  	(pc) =	sbr.rel .LBB2_9-.Ltmp6, $2  }
0x4a: {  	_ =	sdelay $0x2  }
0x4b: {  	[hbm:s16] =	stream.linear.scatter [tilespmem:s13], [sflag:$0x3], $0x400, $0x38;
	[tilespmem:$0x8100] =	vst v63  }
.LBB2_2:
.Ltmp7:
0x4c: {  	(pc) =	sbr.rel .LBB2_10-.Ltmp7, $4  }
0x4d: {  	_ = 	snop  }
0x4e: {  	s12 =	sshrl.u32 s11, $0x3  }
0x4f: {  	s13 =	sand.u32 $0x7, s11;
	s12 =	sadd.s32 s3, s12  }
0x50: {  	[tilespmem:s9], [sflag:$0x2] =	stream.linear.gather [hbm4b:s12+s13], $0x80, $0x38;
	[tilespmem:$0x8100] =	vst v63  }
.LBB2_11:
0x51: {  	s2 =	simm.s32 $0x3  }
0x52: {  	_ =	swait.ge [sflag:s2], $0x4000  }
0x53: {  	[sflag:s2] =	ssyncset.done $0x0  }
0x54: {  	[sflag:s2] =	ssyncadd.s32 $0xFFFFC000  }
0x55: {  	_ =	sfence.sel $0x180000  }
0x56: {  	s3 =	simm.s32 $0x2;
	[bflag:$0x0] =	sbarrier.arrive $0xFFFF  }
0x57: {  	[sflag:s3] =	ssyncpa.u1 $0x1  }
0x58: {  	s31 =	simm.s32 $0x1;
	[sflag:s2] =	ssyncpa.u1 $0x1  }
0x59: {  	[sflag:s31] =	ssyncpa.u1 $0x1  }
0x5a: {  	p0 =	sne.s32 s1, $0x0;
	_ =	strace $0x90000047  }
0x5b: {  	s0 =	sadd.s32 @!p0 $0x100000, s0;
	[bflag:$0x2] =	sbarrier.arrive $0xFFFF  }
0x5c: {  	[sflag:s0] =	ssyncadd.tile.s32 @!p0 $0x1;
	_ =	shalt  }
.Lfunc_end2:
_tile_overlayer_lowered:
.L_overlay_start_2:
0x5d: {  	(tag) =	ssettag $0x2  }
0x5e: {  	s0 =	rddreg [dreg:$0x0];
	s2 =	stileid.u32  }
0x5f: {  	s1 =	rddreg [dreg:$0x1];
	p0 =	sne.s32 s2, $0x0  }
0x60: {  	s3 =	rddreg [dreg:$0x2];
	[bflag:$0x3] =	sbarrier.arrive $0xFFFF;
	s2 =	simm.s32 @!p0 $0x1C01  }
0x61: {  	[timem:s3], [sflag:s2] =	dma.local @!p0 [hbm:s0], s1  }
0x62: {  	s0 =	simm.s32 @!p0 $0x1  }
0x63: {  	_ =	swait.ge @!p0 [sflag:s0], s1  }
0x64: {  	s1 =	ssub.s32 @!p0 $0x0, s1;
	[sflag:s0] =	ssyncset.done @!p0 $0x0  }
0x65: {  	[sflag:s0] =	ssyncadd.s32 @!p0 s1  }
0x66: {  	[bflag:$0x3] =	sbarrier.arrive $0xFFFF  }
0x67: {  	_ =	shalt  }

</sc_bundles>
